<compile_context>
chip_gen: v7x
topology: tpu7x:2x2x1
jax: 0.10.2.dev20260603
libtpu: 0.0.44.dev20260713+nightly
codegen_flags: <defaults>
</compile_context>

<pallas_src>
import jax
import jax.numpy as jnp
from jax.experimental import pallas as pl
from jax.experimental.pallas import tpu as pltpu
from jax.experimental.pallas import tpu_sc as plsc


def _topk_body(x_ref, k_ref, idx_ref):
    keys = k_ref[...]
    kn = keys * jax.lax.rsqrt(
        jnp.maximum(jnp.sum(keys * keys, axis=1, keepdims=True), 1e-12))
    x = x_ref[...]
    xn = x * jax.lax.rsqrt(
        jnp.maximum(jnp.sum(x * x, axis=1, keepdims=True), 1e-12))
    sim = jax.lax.dot_general(
        xn.astype(jnp.bfloat16), kn.astype(jnp.bfloat16),
        (((1,), (1,)), ((), ())),
        preferred_element_type=jnp.float32)
    iota = jax.lax.broadcasted_iota(jnp.int32, sim.shape, 1)
    big = jnp.int32(2**30)
    for k in range(8):
        mx = jnp.max(sim, axis=1, keepdims=True)
        amx = jnp.min(jnp.where(sim >= mx, iota, big), axis=1)
        idx_ref[:, k] = amx
        sim = jnp.where(iota == amx[:, None], -jnp.inf, sim)


def _topk_tc(x_embed, prompt_key, block_b=256):
    B, D = x_embed.shape
    P, _ = prompt_key.shape
    idx_pad = pl.pallas_call(
        _topk_body,
        grid=(B // block_b,),
        in_specs=[
            pl.BlockSpec((block_b, D), lambda i: (i, 0)),
            pl.BlockSpec((P, D), lambda i: (0, 0)),
        ],
        out_specs=pl.BlockSpec((block_b, 128), lambda i: (i, 0)),
        out_shape=jax.ShapeDtypeStruct((B, 128), jnp.int32),
    )(x_embed, prompt_key)
    return idx_pad[:, :8]


_NW = 32
_GRP = 4
_CHUNK = _GRP * 9


def _sc_assemble(prompt, x_embed, g8, xsrc, dests, B, D):
    mesh = plsc.VectorSubcoreMesh(core_axis_name="core",
                                  subcore_axis_name="subcore")
    rows_w = B // _NW
    nchunks = rows_w // _GRP
    g_per_w = rows_w * 8

    @pl.kernel(
        out_type=jax.ShapeDtypeStruct((B * 9, D), prompt.dtype),
        mesh=mesh,
        scratch_types=[
            pltpu.VMEM((g_per_w,), jnp.int32),
            pltpu.VMEM((nchunks, _CHUNK), jnp.int32),
            pltpu.VMEM((nchunks, _GRP), jnp.int32),
            pltpu.VMEM((_CHUNK, D), prompt.dtype),
            pltpu.VMEM((_CHUNK, D), prompt.dtype),
            pltpu.SemaphoreType.DMA,
            pltpu.SemaphoreType.DMA,
        ],
        compiler_params=pltpu.CompilerParams(use_tc_tiling_on_sc=True),
    )
    def kern(p_hbm, x_hbm, g8_hbm, ix_hbm, d_hbm, out_hbm,
             g8_v, d_v, ix_v, rows0, rows1, sem0, sem1):
        wid = (jax.lax.axis_index("subcore") * 2
               + jax.lax.axis_index("core"))
        pltpu.sync_copy(g8_hbm.at[pl.ds(wid * g_per_w, g_per_w)], g8_v)
        pltpu.sync_copy(d_hbm.at[wid], d_v)
        pltpu.sync_copy(ix_hbm.at[wid], ix_v)
        rows = (rows0, rows1)
        sems = (sem0, sem1)

        def start(c, b):
            pltpu.async_copy(
                p_hbm.at[g8_v.at[pl.ds(c * (_GRP * 8), _GRP * 8)]],
                rows[b].at[pl.ds(0, _GRP * 8)], sems[b])
            pltpu.async_copy(
                x_hbm.at[ix_v.at[c]],
                rows[b].at[pl.ds(_GRP * 8, _GRP)], sems[b])

        def drain(c, b):
            pltpu.make_async_copy(
                p_hbm.at[g8_v.at[pl.ds(c * (_GRP * 8), _GRP * 8)]],
                rows[b].at[pl.ds(0, _GRP * 8)], sems[b]).wait()
            pltpu.make_async_copy(
                x_hbm.at[ix_v.at[c]],
                rows[b].at[pl.ds(_GRP * 8, _GRP)], sems[b]).wait()

        start(0, 0)

        @pl.loop(0, nchunks, step=2)
        def _(c0):
            for b in range(2):
                c = c0 + b
                drain(c, b)

                @pl.when(c < nchunks - 1)
                def _():
                    start(c + 1, 1 - b)

                pltpu.sync_copy(rows[b], out_hbm.at[d_v.at[c]])

    return kern(prompt, x_embed, g8, xsrc, dests)


def _dest_indices(B):
    m = jnp.arange(B * 8, dtype=jnp.int32)
    d8 = ((m % 8) * B + m // 8).reshape(_NW, B // (_NW * _GRP), _GRP * 8)
    gx = jnp.arange(B, dtype=jnp.int32)
    dx = (8 * B + gx).reshape(_NW, B // (_NW * _GRP), _GRP)
    return jnp.concatenate([d8, dx], axis=2)


def _xsrc_indices(B):
    return jnp.arange(B, dtype=jnp.int32).reshape(_NW, B // (_NW * _GRP), _GRP)


def kernel(x_embed, prompt, prompt_key):
    B, D = x_embed.shape
    idx = _topk_tc(x_embed, prompt_key)
    g8 = idx.reshape(B * 8)
    buf = _sc_assemble(prompt, x_embed, g8, _xsrc_indices(B),
                       _dest_indices(B), B, D)
    return buf.reshape(9, B, D).transpose(1, 0, 2)

# --- scband reference (transcript-rebuilt; emitter-appended) ---
"""Pipeline reference for scband-prompt-pool-57380763075091 (READ-ONLY COPY).

The authoritative reference and input builder live on the scoring server;
editing this copy changes nothing except your own understanding.
"""

import jax, jax.numpy as jnp
import numpy as np

POOL_SIZE = 2048
EMB_DIM = 1024
BATCH = 4096
TOP_K = 8


def l2_normalize(x, axis=None, epsilon=1e-12):
    square_sum = jnp.sum(x ** 2, axis=axis, keepdims=True)
    x_inv_norm = jax.lax.rsqrt(jnp.maximum(square_sum, epsilon))
    return x * x_inv_norm


def setup_inputs(seed: int = 0) -> dict:
    key = jax.random.key(seed)
    k1, k2, k3 = jax.random.split(key, 3)
    x_embed = jax.random.normal(k1, (BATCH, EMB_DIM), dtype=jnp.float32)
    # Parameters: torch.nn.init.uniform_(-1, 1)
    prompt = jax.random.uniform(k2, (POOL_SIZE, EMB_DIM), dtype=jnp.float32, minval=-1.0, maxval=1.0)
    prompt_key = jax.random.uniform(k3, (POOL_SIZE, EMB_DIM), dtype=jnp.float32, minval=-1.0, maxval=1.0)
    return {"x_embed": x_embed, "prompt": prompt, "prompt_key": prompt_key}


def reference(x_embed, prompt, prompt_key):
    prompt_norm = l2_normalize(prompt_key, axis=1)
    x_embed_norm = l2_normalize(x_embed, axis=1)
    similarity = jnp.matmul(x_embed_norm, prompt_norm.T)  # [B, pool_size]
    _, idx = jax.lax.top_k(similarity, TOP_K)             # [B, top_k]
    batched_prompt_raw = prompt[idx]                      # [B, top_k, c] gather
    batch_size, top_k, c = batched_prompt_raw.shape
    batched_prompt = batched_prompt_raw.reshape(batch_size, top_k, c)
    # Concatenate the selected prompts with the input embedding along the
    # sequence dim (x_embed broadcast as a single token [B, 1, c]).
    x = jnp.concatenate([batched_prompt, x_embed[:, None, :]], axis=1)
    return x

if __name__ == "__main__":
    import jax
    _d = setup_inputs()
    print(jax.jit(kernel)(*tuple(_d.values())))

</pallas_src>

<mosaic_0001>
#map = affine_map<(d0, d1) -> (0, 0)>
#map1 = affine_map<(d0, d1) -> (0)>
#map2 = affine_map<(d0, d1) -> (0, 0, 0)>
module attributes {stable_mosaic.version = 14 : i64} {
  func.func @kern(%arg0: i32, %arg1: i32, %arg2: memref<2048x1024xf32, #tpu.memory_space<hbm>>, %arg3: memref<4096x1024xf32, #tpu.memory_space<hbm>>, %arg4: memref<32768xi32, #tpu.memory_space<hbm>>, %arg5: memref<32x32x4xi32, #tpu.memory_space<hbm>>, %arg6: memref<32x32x36xi32, #tpu.memory_space<hbm>>, %arg7: memref<36864x1024xf32, #tpu.memory_space<hbm>>, %arg8: memref<1024xi32, #tpu.memory_space<vmem>>, %arg9: memref<32x36xi32, #tpu.memory_space<vmem>>, %arg10: memref<32x4xi32, #tpu.memory_space<vmem>>, %arg11: memref<36x1024xf32, #tpu.memory_space<vmem>>, %arg12: memref<36x1024xf32, #tpu.memory_space<vmem>>, %arg13: memref<!tpu.dma_semaphore, #tpu.memory_space<semaphore_mem>>, %arg14: memref<!tpu.dma_semaphore, #tpu.memory_space<semaphore_mem>>) attributes {dimension_semantics = [#tpu.dimension_semantics<core_parallel>, #tpu.dimension_semantics<subcore_parallel>], iteration_bounds = array<i64: 2, 16>, scalar_prefetch = 0 : i64, scratch_operands = 7 : i64, tpu.core_type = #tpu.core_type<sc_vector_subcore>, window_params = [{transform_indices = #map}, {transform_indices = #map}, {transform_indices = #map1}, {transform_indices = #map2}, {transform_indices = #map2}, {transform_indices = #map}]} {
    %mul3A = arith.constant 2 : i32
    %mul3A_0 = arith.muli %arg1, %mul3A : i32
    %add3A = arith.addi %mul3A_0, %arg0 : i32
    %mul3A_1 = arith.constant 1024 : i32
    %mul3A_2 = arith.muli %add3A, %mul3A_1 : i32
    "tpu.region"() ({
      %run_scoped3A = tpu.sem_alloc : memref<!tpu.dma_semaphore, #tpu.memory_space<semaphore_mem>>
      %dma_start3A_24 = tpu.memref_slice %arg4[%mul3A_2] : memref<32768xi32, #tpu.memory_space<hbm>> -> memref<1024xi32, #tpu.memory_space<hbm>>
      %dma_start3A_25 = tpu.memref_slice %arg4[%mul3A_2] : memref<32768xi32, #tpu.memory_space<hbm>> -> memref<1024xi32, #tpu.memory_space<hbm>>
      tpu.enqueue_dma source(%dma_start3A_25 : memref<1024xi32, #tpu.memory_space<hbm>>) target(%arg8 : memref<1024xi32, #tpu.memory_space<vmem>>) target_semaphore(%run_scoped3A : memref<!tpu.dma_semaphore, #tpu.memory_space<semaphore_mem>>)
      %dma_wait3A = tpu.memref_slice %arg4[%mul3A_2] : memref<32768xi32, #tpu.memory_space<hbm>> -> memref<1024xi32, #tpu.memory_space<hbm>>
      %dma_wait3A_26 = tpu.memref_slice %arg4[%mul3A_2] : memref<32768xi32, #tpu.memory_space<hbm>> -> memref<1024xi32, #tpu.memory_space<hbm>>
      tpu.wait_dma2 semaphore(%run_scoped3A : memref<!tpu.dma_semaphore, #tpu.memory_space<semaphore_mem>>) src(%dma_wait3A_26 : memref<1024xi32, #tpu.memory_space<hbm>>) dst(%arg8 : memref<1024xi32, #tpu.memory_space<vmem>>)
      tpu.yield
    }) : () -> ()
    "tpu.region"() ({
      %run_scoped3A = tpu.sem_alloc : memref<!tpu.dma_semaphore, #tpu.memory_space<semaphore_mem>>
      %dma_start3A_24 = arith.constant 0 : i32
      %dma_start3A_25 = arith.constant 0 : i32
      %dma_start3A_26 = tpu.memref_slice %arg6[%add3A, %dma_start3A_24, %dma_start3A_25] : memref<32x32x36xi32, #tpu.memory_space<hbm>> -> memref<1x32x36xi32, #tpu.memory_space<hbm>>
      %dma_start3A_27 = tpu.memref_squeeze %dma_start3A_26 : memref<1x32x36xi32, #tpu.memory_space<hbm>> -> memref<32x36xi32, #tpu.memory_space<hbm>>
      %dma_start3A_28 = arith.constant 0 : i32
      %dma_start3A_29 = arith.constant 0 : i32
      %dma_start3A_30 = tpu.memref_slice %arg6[%add3A, %dma_start3A_28, %dma_start3A_29] : memref<32x32x36xi32, #tpu.memory_space<hbm>> -> memref<1x32x36xi32, #tpu.memory_space<hbm>>
      %dma_start3A_31 = tpu.memref_squeeze %dma_start3A_30 : memref<1x32x36xi32, #tpu.memory_space<hbm>> -> memref<32x36xi32, #tpu.memory_space<hbm>>
      tpu.enqueue_dma source(%dma_start3A_31 : memref<32x36xi32, #tpu.memory_space<hbm>>) target(%arg9 : memref<32x36xi32, #tpu.memory_space<vmem>>) target_semaphore(%run_scoped3A : memref<!tpu.dma_semaphore, #tpu.memory_space<semaphore_mem>>)
      %dma_wait3A = arith.constant 0 : i32
      %dma_wait3A_32 = arith.constant 0 : i32
      %dma_wait3A_33 = tpu.memref_slice %arg6[%add3A, %dma_wait3A, %dma_wait3A_32] : memref<32x32x36xi32, #tpu.memory_space<hbm>> -> memref<1x32x36xi32, #tpu.memory_space<hbm>>
      %dma_wait3A_34 = tpu.memref_squeeze %dma_wait3A_33 : memref<1x32x36xi32, #tpu.memory_space<hbm>> -> memref<32x36xi32, #tpu.memory_space<hbm>>
      %dma_wait3A_35 = arith.constant 0 : i32
      %dma_wait3A_36 = arith.constant 0 : i32
      %dma_wait3A_37 = tpu.memref_slice %arg6[%add3A, %dma_wait3A_35, %dma_wait3A_36] : memref<32x32x36xi32, #tpu.memory_space<hbm>> -> memref<1x32x36xi32, #tpu.memory_space<hbm>>
      %dma_wait3A_38 = tpu.memref_squeeze %dma_wait3A_37 : memref<1x32x36xi32, #tpu.memory_space<hbm>> -> memref<32x36xi32, #tpu.memory_space<hbm>>
      tpu.wait_dma2 semaphore(%run_scoped3A : memref<!tpu.dma_semaphore, #tpu.memory_space<semaphore_mem>>) src(%dma_wait3A_38 : memref<32x36xi32, #tpu.memory_space<hbm>>) dst(%arg9 : memref<32x36xi32, #tpu.memory_space<vmem>>)
      tpu.yield
    }) : () -> ()
    "tpu.region"() ({
      %run_scoped3A = tpu.sem_alloc : memref<!tpu.dma_semaphore, #tpu.memory_space<semaphore_mem>>
      %dma_start3A_24 = arith.constant 0 : i32
      %dma_start3A_25 = arith.constant 0 : i32
      %dma_start3A_26 = tpu.memref_slice %arg5[%add3A, %dma_start3A_24, %dma_start3A_25] : memref<32x32x4xi32, #tpu.memory_space<hbm>> -> memref<1x32x4xi32, #tpu.memory_space<hbm>>
      %dma_start3A_27 = tpu.memref_squeeze %dma_start3A_26 : memref<1x32x4xi32, #tpu.memory_space<hbm>> -> memref<32x4xi32, #tpu.memory_space<hbm>>
      %dma_start3A_28 = arith.constant 0 : i32
      %dma_start3A_29 = arith.constant 0 : i32
      %dma_start3A_30 = tpu.memref_slice %arg5[%add3A, %dma_start3A_28, %dma_start3A_29] : memref<32x32x4xi32, #tpu.memory_space<hbm>> -> memref<1x32x4xi32, #tpu.memory_space<hbm>>
      %dma_start3A_31 = tpu.memref_squeeze %dma_start3A_30 : memref<1x32x4xi32, #tpu.memory_space<hbm>> -> memref<32x4xi32, #tpu.memory_space<hbm>>
      tpu.enqueue_dma source(%dma_start3A_31 : memref<32x4xi32, #tpu.memory_space<hbm>>) target(%arg10 : memref<32x4xi32, #tpu.memory_space<vmem>>) target_semaphore(%run_scoped3A : memref<!tpu.dma_semaphore, #tpu.memory_space<semaphore_mem>>)
      %dma_wait3A = arith.constant 0 : i32
      %dma_wait3A_32 = arith.constant 0 : i32
      %dma_wait3A_33 = tpu.memref_slice %arg5[%add3A, %dma_wait3A, %dma_wait3A_32] : memref<32x32x4xi32, #tpu.memory_space<hbm>> -> memref<1x32x4xi32, #tpu.memory_space<hbm>>
      %dma_wait3A_34 = tpu.memref_squeeze %dma_wait3A_33 : memref<1x32x4xi32, #tpu.memory_space<hbm>> -> memref<32x4xi32, #tpu.memory_space<hbm>>
      %dma_wait3A_35 = arith.constant 0 : i32
      %dma_wait3A_36 = arith.constant 0 : i32
      %dma_wait3A_37 = tpu.memref_slice %arg5[%add3A, %dma_wait3A_35, %dma_wait3A_36] : memref<32x32x4xi32, #tpu.memory_space<hbm>> -> memref<1x32x4xi32, #tpu.memory_space<hbm>>
      %dma_wait3A_38 = tpu.memref_squeeze %dma_wait3A_37 : memref<1x32x4xi32, #tpu.memory_space<hbm>> -> memref<32x4xi32, #tpu.memory_space<hbm>>
      tpu.wait_dma2 semaphore(%run_scoped3A : memref<!tpu.dma_semaphore, #tpu.memory_space<semaphore_mem>>) src(%dma_wait3A_38 : memref<32x4xi32, #tpu.memory_space<hbm>>) dst(%arg10 : memref<32x4xi32, #tpu.memory_space<vmem>>)
      tpu.yield
    }) : () -> ()
    %dma_start3A = arith.constant 0 : i32
    %dma_start3A_3 = arith.constant 0 : i32
    %dma_start3A_4 = tpu.memref_slice %arg11[%dma_start3A, %dma_start3A_3] : memref<36x1024xf32, #tpu.memory_space<vmem>> -> memref<32x1024xf32, #tpu.memory_space<vmem>>
    %dma_start3A_5 = arith.constant 0 : i32
    %dma_start3A_6 = tpu.memref_slice %arg8[%dma_start3A_5] : memref<1024xi32, #tpu.memory_space<vmem>> -> memref<32xi32, #tpu.memory_space<vmem>>
    %dma_start3A_7 = arith.constant 0 : i32
    %dma_start3A_8 = arith.constant 0 : i32
    %dma_start3A_9 = tpu.memref_slice %arg2[%dma_start3A_7, %dma_start3A_8] : memref<2048x1024xf32, #tpu.memory_space<hbm>> -> memref<2048x1024xf32, #tpu.memory_space<hbm>>
    tpu.enqueue_indirect_dma source(%dma_start3A_9 : memref<2048x1024xf32, #tpu.memory_space<hbm>>) target(%dma_start3A_4 : memref<32x1024xf32, #tpu.memory_space<vmem>>) offsets(%dma_start3A_6 : memref<32xi32, #tpu.memory_space<vmem>>) semaphore(%arg13 : memref<!tpu.dma_semaphore, #tpu.memory_space<semaphore_mem>>)
    %dma_start3A_10 = arith.constant 0 : i32
    %dma_start3A_11 = arith.constant 32 : i32
    %dma_start3A_12 = arith.constant 0 : i32
    %dma_start3A_13 = tpu.memref_slice %arg11[%dma_start3A_11, %dma_start3A_12] : memref<36x1024xf32, #tpu.memory_space<vmem>> -> memref<4x1024xf32, #tpu.memory_space<vmem>>
    %dma_start3A_14 = arith.constant 0 : i32
    %dma_start3A_15 = tpu.memref_slice %arg10[%dma_start3A_10, %dma_start3A_14] : memref<32x4xi32, #tpu.memory_space<vmem>> -> memref<1x4xi32, #tpu.memory_space<vmem>>
    %dma_start3A_16 = tpu.memref_squeeze %dma_start3A_15 : memref<1x4xi32, #tpu.memory_space<vmem>> -> memref<4xi32, #tpu.memory_space<vmem>>
    %dma_start3A_17 = arith.constant 0 : i32
    %dma_start3A_18 = arith.constant 0 : i32
    %dma_start3A_19 = tpu.memref_slice %arg3[%dma_start3A_17, %dma_start3A_18] : memref<4096x1024xf32, #tpu.memory_space<hbm>> -> memref<4096x1024xf32, #tpu.memory_space<hbm>>
    tpu.enqueue_indirect_dma source(%dma_start3A_19 : memref<4096x1024xf32, #tpu.memory_space<hbm>>) target(%dma_start3A_13 : memref<4x1024xf32, #tpu.memory_space<vmem>>) offsets(%dma_start3A_16 : memref<4xi32, #tpu.memory_space<vmem>>) semaphore(%arg13 : memref<!tpu.dma_semaphore, #tpu.memory_space<semaphore_mem>>)
    %scan3A = arith.constant 0 : i32
    %scan3A_20 = arith.constant 16 : i32
    %scan3A_21 = arith.addi %scan3A, %scan3A_20 : i32
    %scan3A_22 = arith.constant 1 : i32
    scf.for %scan3A_24 = %scan3A to %scan3A_21 step %scan3A_22  : i32 {
      %mul3A_25 = arith.constant 2 : i32
      %mul3A_26 = arith.muli %scan3A_24, %mul3A_25 : i32
      %add3A_27 = arith.constant 0 : i32
      %add3A_28 = arith.addi %add3A_27, %mul3A_26 : i32
      %add3A_29 = arith.constant 0 : i32
      %add3A_30 = arith.addi %add3A_28, %add3A_29 : i32
      %mul3A_31 = arith.constant 32 : i32
      %mul3A_32 = arith.muli %add3A_30, %mul3A_31 : i32
      %dma_wait3A = arith.constant 0 : i32
      %dma_wait3A_33 = arith.constant 0 : i32
      %dma_wait3A_34 = tpu.memref_slice %arg11[%dma_wait3A, %dma_wait3A_33] : memref<36x1024xf32, #tpu.memory_space<vmem>> -> memref<32x1024xf32, #tpu.memory_space<vmem>>
      %dma_wait3A_35 = tpu.memref_slice %arg8[%mul3A_32] : memref<1024xi32, #tpu.memory_space<vmem>> -> memref<32xi32, #tpu.memory_space<vmem>>
      %dma_wait3A_36 = arith.constant 0 : i32
      %dma_wait3A_37 = arith.constant 0 : i32
      %dma_wait3A_38 = tpu.memref_slice %arg2[%dma_wait3A_36, %dma_wait3A_37] : memref<2048x1024xf32, #tpu.memory_space<hbm>> -> memref<2048x1024xf32, #tpu.memory_space<hbm>>
      tpu.wait_indirect_dma semaphore(%arg13 : memref<!tpu.dma_semaphore, #tpu.memory_space<semaphore_mem>>) src(%dma_wait3A_38 : memref<2048x1024xf32, #tpu.memory_space<hbm>>) dst(%dma_wait3A_34 : memref<32x1024xf32, #tpu.memory_space<vmem>>)
      %dma_wait3A_39 = arith.constant 32 : i32
      %dma_wait3A_40 = arith.constant 0 : i32
      %dma_wait3A_41 = tpu.memref_slice %arg11[%dma_wait3A_39, %dma_wait3A_40] : memref<36x1024xf32, #tpu.memory_space<vmem>> -> memref<4x1024xf32, #tpu.memory_space<vmem>>
      %dma_wait3A_42 = arith.constant 0 : i32
      %dma_wait3A_43 = tpu.memref_slice %arg10[%add3A_30, %dma_wait3A_42] : memref<32x4xi32, #tpu.memory_space<vmem>> -> memref<1x4xi32, #tpu.memory_space<vmem>>
      %dma_wait3A_44 = tpu.memref_squeeze %dma_wait3A_43 : memref<1x4xi32, #tpu.memory_space<vmem>> -> memref<4xi32, #tpu.memory_space<vmem>>
      %dma_wait3A_45 = arith.constant 0 : i32
      %dma_wait3A_46 = arith.constant 0 : i32
      %dma_wait3A_47 = tpu.memref_slice %arg3[%dma_wait3A_45, %dma_wait3A_46] : memref<4096x1024xf32, #tpu.memory_space<hbm>> -> memref<4096x1024xf32, #tpu.memory_space<hbm>>
      tpu.wait_indirect_dma semaphore(%arg13 : memref<!tpu.dma_semaphore, #tpu.memory_space<semaphore_mem>>) src(%dma_wait3A_47 : memref<4096x1024xf32, #tpu.memory_space<hbm>>) dst(%dma_wait3A_41 : memref<4x1024xf32, #tpu.memory_space<vmem>>)
      %lt3A = arith.constant 31 : i32
      %lt3A_48 = arith.cmpi slt, %add3A_30, %lt3A : i32
      %convert_element_type3A = arith.extui %lt3A_48 : i1 to i32
      %cond3A = arith.constant 0 : i32
      %cond3A_49 = arith.cmpi ne, %convert_element_type3A, %cond3A : i32
      scf.if %cond3A_49 {
        %add3A_75 = arith.constant 1 : i32
        %add3A_76 = arith.addi %add3A_30, %add3A_75 : i32
        %mul3A_77 = arith.constant 32 : i32
        %mul3A_78 = arith.muli %add3A_76, %mul3A_77 : i32
        %dma_start3A_79 = arith.constant 0 : i32
        %dma_start3A_80 = arith.constant 0 : i32
        %dma_start3A_81 = tpu.memref_slice %arg12[%dma_start3A_79, %dma_start3A_80] : memref<36x1024xf32, #tpu.memory_space<vmem>> -> memref<32x1024xf32, #tpu.memory_space<vmem>>
        %dma_start3A_82 = tpu.memref_slice %arg8[%mul3A_78] : memref<1024xi32, #tpu.memory_space<vmem>> -> memref<32xi32, #tpu.memory_space<vmem>>
        %dma_start3A_83 = arith.constant 0 : i32
        %dma_start3A_84 = arith.constant 0 : i32
        %dma_start3A_85 = tpu.memref_slice %arg2[%dma_start3A_83, %dma_start3A_84] : memref<2048x1024xf32, #tpu.memory_space<hbm>> -> memref<2048x1024xf32, #tpu.memory_space<hbm>>
        tpu.enqueue_indirect_dma source(%dma_start3A_85 : memref<2048x1024xf32, #tpu.memory_space<hbm>>) target(%dma_start3A_81 : memref<32x1024xf32, #tpu.memory_space<vmem>>) offsets(%dma_start3A_82 : memref<32xi32, #tpu.memory_space<vmem>>) semaphore(%arg14 : memref<!tpu.dma_semaphore, #tpu.memory_space<semaphore_mem>>)
        %dma_start3A_86 = arith.constant 32 : i32
        %dma_start3A_87 = arith.constant 0 : i32
        %dma_start3A_88 = tpu.memref_slice %arg12[%dma_start3A_86, %dma_start3A_87] : memref<36x1024xf32, #tpu.memory_space<vmem>> -> memref<4x1024xf32, #tpu.memory_space<vmem>>
        %dma_start3A_89 = arith.constant 0 : i32
        %dma_start3A_90 = tpu.memref_slice %arg10[%add3A_76, %dma_start3A_89] : memref<32x4xi32, #tpu.memory_space<vmem>> -> memref<1x4xi32, #tpu.memory_space<vmem>>
        %dma_start3A_91 = tpu.memref_squeeze %dma_start3A_90 : memref<1x4xi32, #tpu.memory_space<vmem>> -> memref<4xi32, #tpu.memory_space<vmem>>
        %dma_start3A_92 = arith.constant 0 : i32
        %dma_start3A_93 = arith.constant 0 : i32
        %dma_start3A_94 = tpu.memref_slice %arg3[%dma_start3A_92, %dma_start3A_93] : memref<4096x1024xf32, #tpu.memory_space<hbm>> -> memref<4096x1024xf32, #tpu.memory_space<hbm>>
        tpu.enqueue_indirect_dma source(%dma_start3A_94 : memref<4096x1024xf32, #tpu.memory_space<hbm>>) target(%dma_start3A_88 : memref<4x1024xf32, #tpu.memory_space<vmem>>) offsets(%dma_start3A_91 : memref<4xi32, #tpu.memory_space<vmem>>) semaphore(%arg14 : memref<!tpu.dma_semaphore, #tpu.memory_space<semaphore_mem>>)
      } else {
      }
      "tpu.region"() ({
        %run_scoped3A = tpu.sem_alloc : memref<!tpu.dma_semaphore, #tpu.memory_space<semaphore_mem>>
        %dma_start3A_75 = arith.constant 0 : i32
        %dma_start3A_76 = tpu.memref_slice %arg9[%add3A_30, %dma_start3A_75] : memref<32x36xi32, #tpu.memory_space<vmem>> -> memref<1x36xi32, #tpu.memory_space<vmem>>
        %dma_start3A_77 = tpu.memref_squeeze %dma_start3A_76 : memref<1x36xi32, #tpu.memory_space<vmem>> -> memref<36xi32, #tpu.memory_space<vmem>>
        %dma_start3A_78 = arith.constant 0 : i32
        %dma_start3A_79 = arith.constant 0 : i32
        %dma_start3A_80 = tpu.memref_slice %arg7[%dma_start3A_78, %dma_start3A_79] : memref<36864x1024xf32, #tpu.memory_space<hbm>> -> memref<36864x1024xf32, #tpu.memory_space<hbm>>
        tpu.enqueue_indirect_dma source(%arg11 : memref<36x1024xf32, #tpu.memory_space<vmem>>) target(%dma_start3A_80 : memref<36864x1024xf32, #tpu.memory_space<hbm>>) offsets(%dma_start3A_77 : memref<36xi32, #tpu.memory_space<vmem>>) semaphore(%run_scoped3A : memref<!tpu.dma_semaphore, #tpu.memory_space<semaphore_mem>>)
        %dma_wait3A_81 = arith.constant 0 : i32
        %dma_wait3A_82 = tpu.memref_slice %arg9[%add3A_30, %dma_wait3A_81] : memref<32x36xi32, #tpu.memory_space<vmem>> -> memref<1x36xi32, #tpu.memory_space<vmem>>
        %dma_wait3A_83 = tpu.memref_squeeze %dma_wait3A_82 : memref<1x36xi32, #tpu.memory_space<vmem>> -> memref<36xi32, #tpu.memory_space<vmem>>
        %dma_wait3A_84 = arith.constant 0 : i32
        %dma_wait3A_85 = arith.constant 0 : i32
        %dma_wait3A_86 = tpu.memref_slice %arg7[%dma_wait3A_84, %dma_wait3A_85] : memref<36864x1024xf32, #tpu.memory_space<hbm>> -> memref<36864x1024xf32, #tpu.memory_space<hbm>>
        tpu.wait_indirect_dma semaphore(%run_scoped3A : memref<!tpu.dma_semaphore, #tpu.memory_space<semaphore_mem>>) src(%arg11 : memref<36x1024xf32, #tpu.memory_space<vmem>>) dst(%dma_wait3A_86 : memref<36864x1024xf32, #tpu.memory_space<hbm>>)
        tpu.yield
      }) : () -> ()
      %add3A_50 = arith.constant 1 : i32
      %add3A_51 = arith.addi %add3A_28, %add3A_50 : i32
      %mul3A_52 = arith.constant 32 : i32
      %mul3A_53 = arith.muli %add3A_51, %mul3A_52 : i32
      %dma_wait3A_54 = arith.constant 0 : i32
      %dma_wait3A_55 = arith.constant 0 : i32
      %dma_wait3A_56 = tpu.memref_slice %arg12[%dma_wait3A_54, %dma_wait3A_55] : memref<36x1024xf32, #tpu.memory_space<vmem>> -> memref<32x1024xf32, #tpu.memory_space<vmem>>
      %dma_wait3A_57 = tpu.memref_slice %arg8[%mul3A_53] : memref<1024xi32, #tpu.memory_space<vmem>> -> memref<32xi32, #tpu.memory_space<vmem>>
      %dma_wait3A_58 = arith.constant 0 : i32
      %dma_wait3A_59 = arith.constant 0 : i32
      %dma_wait3A_60 = tpu.memref_slice %arg2[%dma_wait3A_58, %dma_wait3A_59] : memref<2048x1024xf32, #tpu.memory_space<hbm>> -> memref<2048x1024xf32, #tpu.memory_space<hbm>>
      tpu.wait_indirect_dma semaphore(%arg14 : memref<!tpu.dma_semaphore, #tpu.memory_space<semaphore_mem>>) src(%dma_wait3A_60 : memref<2048x1024xf32, #tpu.memory_space<hbm>>) dst(%dma_wait3A_56 : memref<32x1024xf32, #tpu.memory_space<vmem>>)
      %dma_wait3A_61 = arith.constant 32 : i32
      %dma_wait3A_62 = arith.constant 0 : i32
      %dma_wait3A_63 = tpu.memref_slice %arg12[%dma_wait3A_61, %dma_wait3A_62] : memref<36x1024xf32, #tpu.memory_space<vmem>> -> memref<4x1024xf32, #tpu.memory_space<vmem>>
      %dma_wait3A_64 = arith.constant 0 : i32
      %dma_wait3A_65 = tpu.memref_slice %arg10[%add3A_51, %dma_wait3A_64] : memref<32x4xi32, #tpu.memory_space<vmem>> -> memref<1x4xi32, #tpu.memory_space<vmem>>
      %dma_wait3A_66 = tpu.memref_squeeze %dma_wait3A_65 : memref<1x4xi32, #tpu.memory_space<vmem>> -> memref<4xi32, #tpu.memory_space<vmem>>
      %dma_wait3A_67 = arith.constant 0 : i32
      %dma_wait3A_68 = arith.constant 0 : i32
      %dma_wait3A_69 = tpu.memref_slice %arg3[%dma_wait3A_67, %dma_wait3A_68] : memref<4096x1024xf32, #tpu.memory_space<hbm>> -> memref<4096x1024xf32, #tpu.memory_space<hbm>>
      tpu.wait_indirect_dma semaphore(%arg14 : memref<!tpu.dma_semaphore, #tpu.memory_space<semaphore_mem>>) src(%dma_wait3A_69 : memref<4096x1024xf32, #tpu.memory_space<hbm>>) dst(%dma_wait3A_63 : memref<4x1024xf32, #tpu.memory_space<vmem>>)
      %lt3A_70 = arith.constant 31 : i32
      %lt3A_71 = arith.cmpi slt, %add3A_51, %lt3A_70 : i32
      %convert_element_type3A_72 = arith.extui %lt3A_71 : i1 to i32
      %cond3A_73 = arith.constant 0 : i32
      %cond3A_74 = arith.cmpi ne, %convert_element_type3A_72, %cond3A_73 : i32
      scf.if %cond3A_74 {
        %add3A_75 = arith.constant 1 : i32
        %add3A_76 = arith.addi %add3A_51, %add3A_75 : i32
        %mul3A_77 = arith.constant 32 : i32
        %mul3A_78 = arith.muli %add3A_76, %mul3A_77 : i32
        %dma_start3A_79 = arith.constant 0 : i32
        %dma_start3A_80 = arith.constant 0 : i32
        %dma_start3A_81 = tpu.memref_slice %arg11[%dma_start3A_79, %dma_start3A_80] : memref<36x1024xf32, #tpu.memory_space<vmem>> -> memref<32x1024xf32, #tpu.memory_space<vmem>>
        %dma_start3A_82 = tpu.memref_slice %arg8[%mul3A_78] : memref<1024xi32, #tpu.memory_space<vmem>> -> memref<32xi32, #tpu.memory_space<vmem>>
        %dma_start3A_83 = arith.constant 0 : i32
        %dma_start3A_84 = arith.constant 0 : i32
        %dma_start3A_85 = tpu.memref_slice %arg2[%dma_start3A_83, %dma_start3A_84] : memref<2048x1024xf32, #tpu.memory_space<hbm>> -> memref<2048x1024xf32, #tpu.memory_space<hbm>>
        tpu.enqueue_indirect_dma source(%dma_start3A_85 : memref<2048x1024xf32, #tpu.memory_space<hbm>>) target(%dma_start3A_81 : memref<32x1024xf32, #tpu.memory_space<vmem>>) offsets(%dma_start3A_82 : memref<32xi32, #tpu.memory_space<vmem>>) semaphore(%arg13 : memref<!tpu.dma_semaphore, #tpu.memory_space<semaphore_mem>>)
        %dma_start3A_86 = arith.constant 32 : i32
        %dma_start3A_87 = arith.constant 0 : i32
        %dma_start3A_88 = tpu.memref_slice %arg11[%dma_start3A_86, %dma_start3A_87] : memref<36x1024xf32, #tpu.memory_space<vmem>> -> memref<4x1024xf32, #tpu.memory_space<vmem>>
        %dma_start3A_89 = arith.constant 0 : i32
        %dma_start3A_90 = tpu.memref_slice %arg10[%add3A_76, %dma_start3A_89] : memref<32x4xi32, #tpu.memory_space<vmem>> -> memref<1x4xi32, #tpu.memory_space<vmem>>
        %dma_start3A_91 = tpu.memref_squeeze %dma_start3A_90 : memref<1x4xi32, #tpu.memory_space<vmem>> -> memref<4xi32, #tpu.memory_space<vmem>>
        %dma_start3A_92 = arith.constant 0 : i32
        %dma_start3A_93 = arith.constant 0 : i32
        %dma_start3A_94 = tpu.memref_slice %arg3[%dma_start3A_92, %dma_start3A_93] : memref<4096x1024xf32, #tpu.memory_space<hbm>> -> memref<4096x1024xf32, #tpu.memory_space<hbm>>
        tpu.enqueue_indirect_dma source(%dma_start3A_94 : memref<4096x1024xf32, #tpu.memory_space<hbm>>) target(%dma_start3A_88 : memref<4x1024xf32, #tpu.memory_space<vmem>>) offsets(%dma_start3A_91 : memref<4xi32, #tpu.memory_space<vmem>>) semaphore(%arg13 : memref<!tpu.dma_semaphore, #tpu.memory_space<semaphore_mem>>)
      } else {
      }
      "tpu.region"() ({
        %run_scoped3A = tpu.sem_alloc : memref<!tpu.dma_semaphore, #tpu.memory_space<semaphore_mem>>
        %dma_start3A_75 = arith.constant 0 : i32
        %dma_start3A_76 = tpu.memref_slice %arg9[%add3A_51, %dma_start3A_75] : memref<32x36xi32, #tpu.memory_space<vmem>> -> memref<1x36xi32, #tpu.memory_space<vmem>>
        %dma_start3A_77 = tpu.memref_squeeze %dma_start3A_76 : memref<1x36xi32, #tpu.memory_space<vmem>> -> memref<36xi32, #tpu.memory_space<vmem>>
        %dma_start3A_78 = arith.constant 0 : i32
        %dma_start3A_79 = arith.constant 0 : i32
        %dma_start3A_80 = tpu.memref_slice %arg7[%dma_start3A_78, %dma_start3A_79] : memref<36864x1024xf32, #tpu.memory_space<hbm>> -> memref<36864x1024xf32, #tpu.memory_space<hbm>>
        tpu.enqueue_indirect_dma source(%arg12 : memref<36x1024xf32, #tpu.memory_space<vmem>>) target(%dma_start3A_80 : memref<36864x1024xf32, #tpu.memory_space<hbm>>) offsets(%dma_start3A_77 : memref<36xi32, #tpu.memory_space<vmem>>) semaphore(%run_scoped3A : memref<!tpu.dma_semaphore, #tpu.memory_space<semaphore_mem>>)
        %dma_wait3A_81 = arith.constant 0 : i32
        %dma_wait3A_82 = tpu.memref_slice %arg9[%add3A_51, %dma_wait3A_81] : memref<32x36xi32, #tpu.memory_space<vmem>> -> memref<1x36xi32, #tpu.memory_space<vmem>>
        %dma_wait3A_83 = tpu.memref_squeeze %dma_wait3A_82 : memref<1x36xi32, #tpu.memory_space<vmem>> -> memref<36xi32, #tpu.memory_space<vmem>>
        %dma_wait3A_84 = arith.constant 0 : i32
        %dma_wait3A_85 = arith.constant 0 : i32
        %dma_wait3A_86 = tpu.memref_slice %arg7[%dma_wait3A_84, %dma_wait3A_85] : memref<36864x1024xf32, #tpu.memory_space<hbm>> -> memref<36864x1024xf32, #tpu.memory_space<hbm>>
        tpu.wait_indirect_dma semaphore(%run_scoped3A : memref<!tpu.dma_semaphore, #tpu.memory_space<semaphore_mem>>) src(%arg12 : memref<36x1024xf32, #tpu.memory_space<vmem>>) dst(%dma_wait3A_86 : memref<36864x1024xf32, #tpu.memory_space<hbm>>)
        tpu.yield
      }) : () -> ()
    }
    %scan3A_23 = arith.constant 16 : i32
    return
  }
}

module attributes {stable_mosaic.version = 14 : i64} {
  func.func @_topk_body(%arg0: i32, %arg1: memref<256x1024xf32, #tpu.memory_space<vmem>>, %arg2: memref<2048x1024xf32, #tpu.memory_space<vmem>>, %arg3: memref<256x128xi32, #tpu.memory_space<vmem>>) attributes {dimension_semantics = [#tpu.dimension_semantics<arbitrary>], iteration_bounds = array<i64: 16>, scalar_prefetch = 0 : i64, scratch_operands = 0 : i64, tpu.core_type = #tpu.core_type<tc>, window_params = [{transform_indices = @transform_0, window_bounds = array<i64: 256, 1024>}, {pipeline_mode = #tpu.pipeline_mode<synchronous>, transform_indices = @transform_1, window_bounds = array<i64: 2048, 1024>}, {transform_indices = @transform_2, window_bounds = array<i64: 256, 128>}]} {
    %get3A = arith.constant 0 : index
    %get3A_0 = arith.constant 0 : index
    %get3A_1 = vector.load %arg2[%get3A, %get3A_0] : memref<2048x1024xf32, #tpu.memory_space<vmem>>, vector<2048x1024xf32>
    %mul3A = arith.mulf %get3A_1, %get3A_1 : vector<2048x1024xf32>
    %reduce_sum3A = arith.constant dense<0.000000e+00> : vector<2048xf32>
    %reduce_sum3A_2 = vector.multi_reduction <add>, %mul3A, %reduce_sum3A [1] : vector<2048x1024xf32> to vector<2048xf32>
    %broadcast_in_dim3A = vector.shape_cast %reduce_sum3A_2 : vector<2048xf32> to vector<2048x1xf32>
    %max3A = arith.constant 9.99999996E-13 : f32
    %max3A_3 = vector.broadcast %max3A : f32 to vector<2048x1xf32>
    %max3A_4 = arith.maximumf %broadcast_in_dim3A, %max3A_3 : vector<2048x1xf32>
    %rsqrt3A = math.rsqrt %max3A_4 : vector<2048x1xf32>
    %mul3A_5 = vector.broadcast %rsqrt3A : vector<2048x1xf32> to vector<2048x1024xf32>
    %mul3A_6 = arith.mulf %get3A_1, %mul3A_5 : vector<2048x1024xf32>
    %get3A_7 = arith.constant 0 : index
    %get3A_8 = arith.constant 0 : index
    %get3A_9 = vector.load %arg1[%get3A_7, %get3A_8] : memref<256x1024xf32, #tpu.memory_space<vmem>>, vector<256x1024xf32>
    %mul3A_10 = arith.mulf %get3A_9, %get3A_9 : vector<256x1024xf32>
    %reduce_sum3A_11 = arith.constant dense<0.000000e+00> : vector<256xf32>
    %reduce_sum3A_12 = vector.multi_reduction <add>, %mul3A_10, %reduce_sum3A_11 [1] : vector<256x1024xf32> to vector<256xf32>
    %broadcast_in_dim3A_13 = vector.shape_cast %reduce_sum3A_12 : vector<256xf32> to vector<256x1xf32>
    %max3A_14 = arith.constant 9.99999996E-13 : f32
    %max3A_15 = vector.broadcast %max3A_14 : f32 to vector<256x1xf32>
    %max3A_16 = arith.maximumf %broadcast_in_dim3A_13, %max3A_15 : vector<256x1xf32>
    %rsqrt3A_17 = math.rsqrt %max3A_16 : vector<256x1xf32>
    %mul3A_18 = vector.broadcast %rsqrt3A_17 : vector<256x1xf32> to vector<256x1024xf32>
    %mul3A_19 = arith.mulf %get3A_9, %mul3A_18 : vector<256x1024xf32>
    %convert_element_type3A = arith.truncf %mul3A_19 : vector<256x1024xf32> to vector<256x1024xbf16>
    %convert_element_type3A_20 = arith.truncf %mul3A_6 : vector<2048x1024xf32> to vector<2048x1024xbf16>
    %dot_general3A = arith.constant dense<0.000000e+00> : vector<256x2048xf32>
    %dot_general3A_21 = tpu.matmul %convert_element_type3A, %convert_element_type3A_20, %dot_general3A {dimension_numbers = #tpu.dot_dimension_numbers<[1], [1], [0], [0], [0, 0, 1, 0], [], []>, transpose_lhs_hint = false} : vector<256x1024xbf16>, vector<2048x1024xbf16>, vector<256x2048xf32> -> vector<256x2048xf32>
    %iota3A = tpu.iota {dimensions = array<i32: 1>} : vector<256x2048xi32>
    %reduce_max3A = arith.constant dense<0xFF800000> : vector<256xf32>
    %reduce_max3A_22 = vector.multi_reduction <maximumf>, %dot_general3A_21, %reduce_max3A [1] : vector<256x2048xf32> to vector<256xf32>
    %broadcast_in_dim3A_23 = vector.shape_cast %reduce_max3A_22 : vector<256xf32> to vector<256x1xf32>
    %ge3A = vector.broadcast %broadcast_in_dim3A_23 : vector<256x1xf32> to vector<256x2048xf32>
    %ge3A_24 = arith.cmpf oge, %dot_general3A_21, %ge3A : vector<256x2048xf32>
    %jit3A = arith.constant 1073741824 : i32
    %broadcast_in_dim3A_25 = vector.broadcast %jit3A : i32 to vector<256x2048xi32>
    %select_n3A = arith.select %ge3A_24, %iota3A, %broadcast_in_dim3A_25 : vector<256x2048xi1>, vector<256x2048xi32>
    %reduce_min3A = arith.constant dense<2147483647> : vector<256xi32>
    %reduce_min3A_26 = vector.multi_reduction <minsi>, %select_n3A, %reduce_min3A [1] : vector<256x2048xi32> to vector<256xi32>
    %swap3A = arith.constant 0 : index
    %swap3A_27 = arith.constant 0 : index
    %swap3A_28 = vector.load %arg3[%swap3A, %swap3A_27] : memref<256x128xi32, #tpu.memory_space<vmem>>, vector<256x1xi32>
    %swap3A_29 = vector.shape_cast %swap3A_28 : vector<256x1xi32> to vector<256xi32>
    %swap3A_30 = vector.shape_cast %reduce_min3A_26 : vector<256xi32> to vector<256x1xi32>
    tpu.vector_store %arg3[%swap3A, %swap3A_27], %swap3A_30 {strides = array<i32>} : memref<256x128xi32, #tpu.memory_space<vmem>>, vector<256x1xi32>,
    %broadcast_in_dim3A_31 = vector.shape_cast %reduce_min3A_26 : vector<256xi32> to vector<256x1xi32>
    %eq3A = vector.broadcast %broadcast_in_dim3A_31 : vector<256x1xi32> to vector<256x2048xi32>
    %eq3A_32 = arith.cmpi eq, %iota3A, %eq3A : vector<256x2048xi32>
    %jit3A_33 = arith.constant 0xFF800000 : f32
    %broadcast_in_dim3A_34 = vector.broadcast %jit3A_33 : f32 to vector<256x2048xf32>
    %select_n3A_35 = arith.select %eq3A_32, %broadcast_in_dim3A_34, %dot_general3A_21 : vector<256x2048xi1>, vector<256x2048xf32>
    %reduce_max3A_36 = arith.constant dense<0xFF800000> : vector<256xf32>
    %reduce_max3A_37 = vector.multi_reduction <maximumf>, %select_n3A_35, %reduce_max3A_36 [1] : vector<256x2048xf32> to vector<256xf32>
    %broadcast_in_dim3A_38 = vector.shape_cast %reduce_max3A_37 : vector<256xf32> to vector<256x1xf32>
    %ge3A_39 = vector.broadcast %broadcast_in_dim3A_38 : vector<256x1xf32> to vector<256x2048xf32>
    %ge3A_40 = arith.cmpf oge, %select_n3A_35, %ge3A_39 : vector<256x2048xf32>
    %jit3A_41 = arith.constant 1073741824 : i32
    %broadcast_in_dim3A_42 = vector.broadcast %jit3A_41 : i32 to vector<256x2048xi32>
    %select_n3A_43 = arith.select %ge3A_40, %iota3A, %broadcast_in_dim3A_42 : vector<256x2048xi1>, vector<256x2048xi32>
    %reduce_min3A_44 = arith.constant dense<2147483647> : vector<256xi32>
    %reduce_min3A_45 = vector.multi_reduction <minsi>, %select_n3A_43, %reduce_min3A_44 [1] : vector<256x2048xi32> to vector<256xi32>
    %swap3A_46 = arith.constant 0 : index
    %swap3A_47 = arith.constant 1 : index
    %swap3A_48 = vector.load %arg3[%swap3A_46, %swap3A_47] : memref<256x128xi32, #tpu.memory_space<vmem>>, vector<256x1xi32>
    %swap3A_49 = vector.shape_cast %swap3A_48 : vector<256x1xi32> to vector<256xi32>
    %swap3A_50 = vector.shape_cast %reduce_min3A_45 : vector<256xi32> to vector<256x1xi32>
    tpu.vector_store %arg3[%swap3A_46, %swap3A_47], %swap3A_50 {strides = array<i32>} : memref<256x128xi32, #tpu.memory_space<vmem>>, vector<256x1xi32>,
    %broadcast_in_dim3A_51 = vector.shape_cast %reduce_min3A_45 : vector<256xi32> to vector<256x1xi32>
    %eq3A_52 = vector.broadcast %broadcast_in_dim3A_51 : vector<256x1xi32> to vector<256x2048xi32>
    %eq3A_53 = arith.cmpi eq, %iota3A, %eq3A_52 : vector<256x2048xi32>
    %jit3A_54 = arith.constant 0xFF800000 : f32
    %broadcast_in_dim3A_55 = vector.broadcast %jit3A_54 : f32 to vector<256x2048xf32>
    %select_n3A_56 = arith.select %eq3A_53, %broadcast_in_dim3A_55, %select_n3A_35 : vector<256x2048xi1>, vector<256x2048xf32>
    %reduce_max3A_57 = arith.constant dense<0xFF800000> : vector<256xf32>
    %reduce_max3A_58 = vector.multi_reduction <maximumf>, %select_n3A_56, %reduce_max3A_57 [1] : vector<256x2048xf32> to vector<256xf32>
    %broadcast_in_dim3A_59 = vector.shape_cast %reduce_max3A_58 : vector<256xf32> to vector<256x1xf32>
    %ge3A_60 = vector.broadcast %broadcast_in_dim3A_59 : vector<256x1xf32> to vector<256x2048xf32>
    %ge3A_61 = arith.cmpf oge, %select_n3A_56, %ge3A_60 : vector<256x2048xf32>
    %jit3A_62 = arith.constant 1073741824 : i32
    %broadcast_in_dim3A_63 = vector.broadcast %jit3A_62 : i32 to vector<256x2048xi32>
    %select_n3A_64 = arith.select %ge3A_61, %iota3A, %broadcast_in_dim3A_63 : vector<256x2048xi1>, vector<256x2048xi32>
    %reduce_min3A_65 = arith.constant dense<2147483647> : vector<256xi32>
    %reduce_min3A_66 = vector.multi_reduction <minsi>, %select_n3A_64, %reduce_min3A_65 [1] : vector<256x2048xi32> to vector<256xi32>
    %swap3A_67 = arith.constant 0 : index
    %swap3A_68 = arith.constant 2 : index
    %swap3A_69 = vector.load %arg3[%swap3A_67, %swap3A_68] : memref<256x128xi32, #tpu.memory_space<vmem>>, vector<256x1xi32>
    %swap3A_70 = vector.shape_cast %swap3A_69 : vector<256x1xi32> to vector<256xi32>
    %swap3A_71 = vector.shape_cast %reduce_min3A_66 : vector<256xi32> to vector<256x1xi32>
    tpu.vector_store %arg3[%swap3A_67, %swap3A_68], %swap3A_71 {strides = array<i32>} : memref<256x128xi32, #tpu.memory_space<vmem>>, vector<256x1xi32>,
    %broadcast_in_dim3A_72 = vector.shape_cast %reduce_min3A_66 : vector<256xi32> to vector<256x1xi32>
    %eq3A_73 = vector.broadcast %broadcast_in_dim3A_72 : vector<256x1xi32> to vector<256x2048xi32>
    %eq3A_74 = arith.cmpi eq, %iota3A, %eq3A_73 : vector<256x2048xi32>
    %jit3A_75 = arith.constant 0xFF800000 : f32
    %broadcast_in_dim3A_76 = vector.broadcast %jit3A_75 : f32 to vector<256x2048xf32>
    %select_n3A_77 = arith.select %eq3A_74, %broadcast_in_dim3A_76, %select_n3A_56 : vector<256x2048xi1>, vector<256x2048xf32>
    %reduce_max3A_78 = arith.constant dense<0xFF800000> : vector<256xf32>
    %reduce_max3A_79 = vector.multi_reduction <maximumf>, %select_n3A_77, %reduce_max3A_78 [1] : vector<256x2048xf32> to vector<256xf32>
    %broadcast_in_dim3A_80 = vector.shape_cast %reduce_max3A_79 : vector<256xf32> to vector<256x1xf32>
    %ge3A_81 = vector.broadcast %broadcast_in_dim3A_80 : vector<256x1xf32> to vector<256x2048xf32>
    %ge3A_82 = arith.cmpf oge, %select_n3A_77, %ge3A_81 : vector<256x2048xf32>
    %jit3A_83 = arith.constant 1073741824 : i32
    %broadcast_in_dim3A_84 = vector.broadcast %jit3A_83 : i32 to vector<256x2048xi32>
    %select_n3A_85 = arith.select %ge3A_82, %iota3A, %broadcast_in_dim3A_84 : vector<256x2048xi1>, vector<256x2048xi32>
    %reduce_min3A_86 = arith.constant dense<2147483647> : vector<256xi32>
    %reduce_min3A_87 = vector.multi_reduction <minsi>, %select_n3A_85, %reduce_min3A_86 [1] : vector<256x2048xi32> to vector<256xi32>
    %swap3A_88 = arith.constant 0 : index
    %swap3A_89 = arith.constant 3 : index
    %swap3A_90 = vector.load %arg3[%swap3A_88, %swap3A_89] : memref<256x128xi32, #tpu.memory_space<vmem>>, vector<256x1xi32>
    %swap3A_91 = vector.shape_cast %swap3A_90 : vector<256x1xi32> to vector<256xi32>
    %swap3A_92 = vector.shape_cast %reduce_min3A_87 : vector<256xi32> to vector<256x1xi32>
    tpu.vector_store %arg3[%swap3A_88, %swap3A_89], %swap3A_92 {strides = array<i32>} : memref<256x128xi32, #tpu.memory_space<vmem>>, vector<256x1xi32>,
    %broadcast_in_dim3A_93 = vector.shape_cast %reduce_min3A_87 : vector<256xi32> to vector<256x1xi32>
    %eq3A_94 = vector.broadcast %broadcast_in_dim3A_93 : vector<256x1xi32> to vector<256x2048xi32>
    %eq3A_95 = arith.cmpi eq, %iota3A, %eq3A_94 : vector<256x2048xi32>
    %jit3A_96 = arith.constant 0xFF800000 : f32
    %broadcast_in_dim3A_97 = vector.broadcast %jit3A_96 : f32 to vector<256x2048xf32>
    %select_n3A_98 = arith.select %eq3A_95, %broadcast_in_dim3A_97, %select_n3A_77 : vector<256x2048xi1>, vector<256x2048xf32>
    %reduce_max3A_99 = arith.constant dense<0xFF800000> : vector<256xf32>
    %reduce_max3A_100 = vector.multi_reduction <maximumf>, %select_n3A_98, %reduce_max3A_99 [1] : vector<256x2048xf32> to vector<256xf32>
    %broadcast_in_dim3A_101 = vector.shape_cast %reduce_max3A_100 : vector<256xf32> to vector<256x1xf32>
    %ge3A_102 = vector.broadcast %broadcast_in_dim3A_101 : vector<256x1xf32> to vector<256x2048xf32>
    %ge3A_103 = arith.cmpf oge, %select_n3A_98, %ge3A_102 : vector<256x2048xf32>
    %jit3A_104 = arith.constant 1073741824 : i32
    %broadcast_in_dim3A_105 = vector.broadcast %jit3A_104 : i32 to vector<256x2048xi32>
    %select_n3A_106 = arith.select %ge3A_103, %iota3A, %broadcast_in_dim3A_105 : vector<256x2048xi1>, vector<256x2048xi32>
    %reduce_min3A_107 = arith.constant dense<2147483647> : vector<256xi32>
    %reduce_min3A_108 = vector.multi_reduction <minsi>, %select_n3A_106, %reduce_min3A_107 [1] : vector<256x2048xi32> to vector<256xi32>
    %swap3A_109 = arith.constant 0 : index
    %swap3A_110 = arith.constant 4 : index
    %swap3A_111 = vector.load %arg3[%swap3A_109, %swap3A_110] : memref<256x128xi32, #tpu.memory_space<vmem>>, vector<256x1xi32>
    %swap3A_112 = vector.shape_cast %swap3A_111 : vector<256x1xi32> to vector<256xi32>
    %swap3A_113 = vector.shape_cast %reduce_min3A_108 : vector<256xi32> to vector<256x1xi32>
    tpu.vector_store %arg3[%swap3A_109, %swap3A_110], %swap3A_113 {strides = array<i32>} : memref<256x128xi32, #tpu.memory_space<vmem>>, vector<256x1xi32>,
    %broadcast_in_dim3A_114 = vector.shape_cast %reduce_min3A_108 : vector<256xi32> to vector<256x1xi32>
    %eq3A_115 = vector.broadcast %broadcast_in_dim3A_114 : vector<256x1xi32> to vector<256x2048xi32>
    %eq3A_116 = arith.cmpi eq, %iota3A, %eq3A_115 : vector<256x2048xi32>
    %jit3A_117 = arith.constant 0xFF800000 : f32
    %broadcast_in_dim3A_118 = vector.broadcast %jit3A_117 : f32 to vector<256x2048xf32>
    %select_n3A_119 = arith.select %eq3A_116, %broadcast_in_dim3A_118, %select_n3A_98 : vector<256x2048xi1>, vector<256x2048xf32>
    %reduce_max3A_120 = arith.constant dense<0xFF800000> : vector<256xf32>
    %reduce_max3A_121 = vector.multi_reduction <maximumf>, %select_n3A_119, %reduce_max3A_120 [1] : vector<256x2048xf32> to vector<256xf32>
    %broadcast_in_dim3A_122 = vector.shape_cast %reduce_max3A_121 : vector<256xf32> to vector<256x1xf32>
    %ge3A_123 = vector.broadcast %broadcast_in_dim3A_122 : vector<256x1xf32> to vector<256x2048xf32>
    %ge3A_124 = arith.cmpf oge, %select_n3A_119, %ge3A_123 : vector<256x2048xf32>
    %jit3A_125 = arith.constant 1073741824 : i32
    %broadcast_in_dim3A_126 = vector.broadcast %jit3A_125 : i32 to vector<256x2048xi32>
    %select_n3A_127 = arith.select %ge3A_124, %iota3A, %broadcast_in_dim3A_126 : vector<256x2048xi1>, vector<256x2048xi32>
    %reduce_min3A_128 = arith.constant dense<2147483647> : vector<256xi32>
    %reduce_min3A_129 = vector.multi_reduction <minsi>, %select_n3A_127, %reduce_min3A_128 [1] : vector<256x2048xi32> to vector<256xi32>
    %swap3A_130 = arith.constant 0 : index
    %swap3A_131 = arith.constant 5 : index
    %swap3A_132 = vector.load %arg3[%swap3A_130, %swap3A_131] : memref<256x128xi32, #tpu.memory_space<vmem>>, vector<256x1xi32>
    %swap3A_133 = vector.shape_cast %swap3A_132 : vector<256x1xi32> to vector<256xi32>
    %swap3A_134 = vector.shape_cast %reduce_min3A_129 : vector<256xi32> to vector<256x1xi32>
    tpu.vector_store %arg3[%swap3A_130, %swap3A_131], %swap3A_134 {strides = array<i32>} : memref<256x128xi32, #tpu.memory_space<vmem>>, vector<256x1xi32>,
    %broadcast_in_dim3A_135 = vector.shape_cast %reduce_min3A_129 : vector<256xi32> to vector<256x1xi32>
    %eq3A_136 = vector.broadcast %broadcast_in_dim3A_135 : vector<256x1xi32> to vector<256x2048xi32>
    %eq3A_137 = arith.cmpi eq, %iota3A, %eq3A_136 : vector<256x2048xi32>
    %jit3A_138 = arith.constant 0xFF800000 : f32
    %broadcast_in_dim3A_139 = vector.broadcast %jit3A_138 : f32 to vector<256x2048xf32>
    %select_n3A_140 = arith.select %eq3A_137, %broadcast_in_dim3A_139, %select_n3A_119 : vector<256x2048xi1>, vector<256x2048xf32>
    %reduce_max3A_141 = arith.constant dense<0xFF800000> : vector<256xf32>
    %reduce_max3A_142 = vector.multi_reduction <maximumf>, %select_n3A_140, %reduce_max3A_141 [1] : vector<256x2048xf32> to vector<256xf32>
    %broadcast_in_dim3A_143 = vector.shape_cast %reduce_max3A_142 : vector<256xf32> to vector<256x1xf32>
    %ge3A_144 = vector.broadcast %broadcast_in_dim3A_143 : vector<256x1xf32> to vector<256x2048xf32>
    %ge3A_145 = arith.cmpf oge, %select_n3A_140, %ge3A_144 : vector<256x2048xf32>
    %jit3A_146 = arith.constant 1073741824 : i32
    %broadcast_in_dim3A_147 = vector.broadcast %jit3A_146 : i32 to vector<256x2048xi32>
    %select_n3A_148 = arith.select %ge3A_145, %iota3A, %broadcast_in_dim3A_147 : vector<256x2048xi1>, vector<256x2048xi32>
    %reduce_min3A_149 = arith.constant dense<2147483647> : vector<256xi32>
    %reduce_min3A_150 = vector.multi_reduction <minsi>, %select_n3A_148, %reduce_min3A_149 [1] : vector<256x2048xi32> to vector<256xi32>
    %swap3A_151 = arith.constant 0 : index
    %swap3A_152 = arith.constant 6 : index
    %swap3A_153 = vector.load %arg3[%swap3A_151, %swap3A_152] : memref<256x128xi32, #tpu.memory_space<vmem>>, vector<256x1xi32>
    %swap3A_154 = vector.shape_cast %swap3A_153 : vector<256x1xi32> to vector<256xi32>
    %swap3A_155 = vector.shape_cast %reduce_min3A_150 : vector<256xi32> to vector<256x1xi32>
    tpu.vector_store %arg3[%swap3A_151, %swap3A_152], %swap3A_155 {strides = array<i32>} : memref<256x128xi32, #tpu.memory_space<vmem>>, vector<256x1xi32>,
    %broadcast_in_dim3A_156 = vector.shape_cast %reduce_min3A_150 : vector<256xi32> to vector<256x1xi32>
    %eq3A_157 = vector.broadcast %broadcast_in_dim3A_156 : vector<256x1xi32> to vector<256x2048xi32>
    %eq3A_158 = arith.cmpi eq, %iota3A, %eq3A_157 : vector<256x2048xi32>
    %jit3A_159 = arith.constant 0xFF800000 : f32
    %broadcast_in_dim3A_160 = vector.broadcast %jit3A_159 : f32 to vector<256x2048xf32>
    %select_n3A_161 = arith.select %eq3A_158, %broadcast_in_dim3A_160, %select_n3A_140 : vector<256x2048xi1>, vector<256x2048xf32>
    %reduce_max3A_162 = arith.constant dense<0xFF800000> : vector<256xf32>
    %reduce_max3A_163 = vector.multi_reduction <maximumf>, %select_n3A_161, %reduce_max3A_162 [1] : vector<256x2048xf32> to vector<256xf32>
    %broadcast_in_dim3A_164 = vector.shape_cast %reduce_max3A_163 : vector<256xf32> to vector<256x1xf32>
    %ge3A_165 = vector.broadcast %broadcast_in_dim3A_164 : vector<256x1xf32> to vector<256x2048xf32>
    %ge3A_166 = arith.cmpf oge, %select_n3A_161, %ge3A_165 : vector<256x2048xf32>
    %jit3A_167 = arith.constant 1073741824 : i32
    %broadcast_in_dim3A_168 = vector.broadcast %jit3A_167 : i32 to vector<256x2048xi32>
    %select_n3A_169 = arith.select %ge3A_166, %iota3A, %broadcast_in_dim3A_168 : vector<256x2048xi1>, vector<256x2048xi32>
    %reduce_min3A_170 = arith.constant dense<2147483647> : vector<256xi32>
    %reduce_min3A_171 = vector.multi_reduction <minsi>, %select_n3A_169, %reduce_min3A_170 [1] : vector<256x2048xi32> to vector<256xi32>
    %swap3A_172 = arith.constant 0 : index
    %swap3A_173 = arith.constant 7 : index
    %swap3A_174 = vector.load %arg3[%swap3A_172, %swap3A_173] : memref<256x128xi32, #tpu.memory_space<vmem>>, vector<256x1xi32>
    %swap3A_175 = vector.shape_cast %swap3A_174 : vector<256x1xi32> to vector<256xi32>
    %swap3A_176 = vector.shape_cast %reduce_min3A_171 : vector<256xi32> to vector<256x1xi32>
    tpu.vector_store %arg3[%swap3A_172, %swap3A_173], %swap3A_176 {strides = array<i32>} : memref<256x128xi32, #tpu.memory_space<vmem>>, vector<256x1xi32>,
    return
  }
  func.func @transform_0(%arg0: i32) -> (i32, i32) {
    %c0_i32 = arith.constant 0 : i32
    %c0_i32_0 = arith.constant 0 : i32
    return %arg0, %c0_i32 : i32, i32
  }
  func.func @transform_1(%arg0: i32) -> (i32, i32) {
    %c0_i32 = arith.constant 0 : i32
    %c0_i32_0 = arith.constant 0 : i32
    %c0_i32_1 = arith.constant 0 : i32
    return %c0_i32, %c0_i32_0 : i32, i32
  }
  func.func @transform_2(%arg0: i32) -> (i32, i32) {
    %c0_i32 = arith.constant 0 : i32
    %c0_i32_0 = arith.constant 0 : i32
    return %arg0, %c0_i32 : i32, i32
  }
}

</mosaic_0001>

<sc_bundles>
// kernel: kernel.4.cloned.1.call-start
scs
__scs_entry_jumppad:
0x0: {  	(pc) =	sbr.rel $0x88, $3  }
0x1: {  	(tag) =	ssettag $0x0;
	lr =	simm.s32 $0x1  }
0x2: {  	[smem:$0x3F9E] =	sst lr;
	_ =	strace $0xD0000000  }
0x3: {  	_ = 	snop  }
0x4: {  	_ = 	snop  }
0x5: {  	_ = 	snop  }
0x6: {  	_ = 	snop  }
0x7: {  	_ = 	snop  }
__scs_overlays_trampoline_lowered:
0x8: {  	[smem:$0x3FAD] =	sst s0  }
0x9: {  	[smem:$0x3FAE] =	sst s1  }
0xa: {  	[smem:$0x3FAF] =	sst s2  }
0xb: {  	[smem:$0x3FB0] =	sst s3  }
0xc: {  	[smem:$0x3FB1] =	sst s4  }
0xd: {  	[smem:$0x3FB2] =	sst s5  }
0xe: {  	[smem:$0x3FB3] =	sst s6  }
0xf: {  	[smem:$0x3FB4] =	sst s7  }
0x10: {  	[smem:$0x3FB5] =	sst s8  }
0x11: {  	[smem:$0x3FB6] =	sst s9;
	s0 =	simm.s32 @!p0 $0x0  }
0x12: {  	s1 =	sld [smem:$0x3F9C];
	s0 =	simm.s32 @p0 $0x1  }
0x13: {  	[smem:$0x3FB7] =	sst s0;
	s0 =	simm.s32 @!p1 $0x0  }
0x14: {  	s2 =	sld [smem:$0x3F9B];
	s0 =	simm.s32 @p1 $0x1  }
0x15: {  	[smem:$0x3FB8] =	sst s0;
	s0 =	simm.s32 @!p2 $0x0  }
0x16: {  	s3 =	sld [smem:$0x3FDB];
	s0 =	simm.s32 @p2 $0x1  }
0x17: {  	s4 =	simm.s32 $0x1BF5;
	[smem:$0x3FBA] =	sst s0  }
0x18: {  	s0 =	sld [smem:$0x3F9D];
	_ =	swait.ge [sflag:s4], $0x0  }
0x19: {  	s7 =	sld [smem:$0x3F9E]  }
0x1a: {  	s8 =	sadd.s32 $0xFFFFE003, lr  }
0x1b: {  	s9 =	sadd.s32 $0xFFFFFEF7, lr;
	s5 =	simm.s32 $0xFFFFFFFF;
	p2 =	slt.u32 s8, $0xFFFFF086  }
0x1c: {  	p1 =	slt.u32 s9, $0xF7A;
	s5 =	simm.s32 @!p2 $0x0  }
0x1d: {  	s5 =	simm.s32 @p1 $0x1;
	p0 =	seq.s32 s7, s2  }
0x1e: {  	s7 =	smul.u32 @!p0 $0xF7A, s2;
	p2 =	seq.s32 @!p0 s5, $0x0  }
0x1f: {  	s9 =	smul.u32 $0xF7A, s1;
	s8 =	simm.s32 @!p0 $0x1BF5;
	p2 =	por !p2, p0  }
0x20: {  	[sflag:s8] =	ssyncset.s32 @!p0 $0xFFFFF086;
	s6 =	sadd.s32 @!p0 s3, s7;
	s7 =	simm.s32 @!p0 $0x108  }
0x21: {  	s3 =	sadd.s32 s3, s9;
	s6 =	sadd.s32 @!p0 $0x88, s6;
	s7 =	simm.s32 @p2 $0x1082  }
0x22: {  	[simem:s7], [sflag:s8] =	dma.local @!p0 [hbm:s6], $0xF7A  }
0x23: {  	s9 =	sor.u32 $0xD0000000, s2;
	s6 =	simm.s32 $0x108;
	_ =	swait.ge @!p0 [sflag:s8], $0x0  }
0x24: {  	s3 =	sadd.s32 $0x88, s3;
	s6 =	simm.s32 @!p1 $0x1082;
	[sflag:s4] =	ssyncset.s32 $0xFFFFF086  }
0x25: {  	[simem:s6], [sflag:s4] =	dma.local [hbm:s3], $0xF7A  }
0x26: {  	[smem:$0x3F9E] =	sst s1;
	(tag) =	ssettag s2;
	_ =	strace s9  }
0x27: {  	s1 =	sld [smem:$0x3FAE]  }
0x28: {  	s2 =	sld [smem:$0x3FAF]  }
0x29: {  	s4 =	sld [smem:$0x3FB1]  }
0x2a: {  	p0 =	seq.s32 s5, $0x0;
	s5 =	sld [smem:$0x3FB2]  }
0x2b: {  	s6 =	sld [smem:$0x3FB3]  }
0x2c: {  	s7 =	sld [smem:$0x3FB4]  }
0x2d: {  	s3 =	simm.s32 $0x108;
	s8 =	sld [smem:$0x3FB5]  }
0x2e: {  	s3 =	simm.s32 @!p0 $0x1082;
	s9 =	sld [smem:$0x3FB6]  }
0x2f: {  	lr =	sadd.s32 s0, s3;
	s0 =	sld [smem:$0x3FAD]  }
0x30: {  	s3 =	sld [smem:$0x3FB0]  }
0x31: {  	[smem:$0x3FB9] =	sst s10  }
0x32: {  	s10 =	sld [smem:$0x3FB7];
	_ =	sdelay $0x3  }
0x33: {  	p0 =	seq.s32 s10, $0x1;
	s10 =	sld [smem:$0x3FB9];
	_ =	sdelay $0x3  }
0x34: {  	[smem:$0x3FB9] =	sst s10  }
0x35: {  	s10 =	sld [smem:$0x3FB8];
	_ =	sdelay $0x3  }
0x36: {  	p1 =	seq.s32 s10, $0x1;
	s10 =	sld [smem:$0x3FB9];
	_ =	sdelay $0x3  }
0x37: {  	[smem:$0x3FB9] =	sst s10  }
0x38: {  	s10 =	sld [smem:$0x3FBA]  }
0x39: {  	_ = 	snop;
	(pc) =	sbr.ind lr, $3  }
0x3a: {  	_ = 	snop  }
0x3b: {  	_ = 	snop  }
0x3c: {  	p2 =	seq.s32 s10, $0x1;
	s10 =	sld [smem:$0x3FB9]  }
0x3d: {  	_ =	shalt  }
0x3e: {  	_ =	shalt  }
0x3f: {  	_ =	shalt  }
0x40: {  	_ =	shalt  }
0x41: {  	_ =	shalt  }
0x42: {  	_ =	shalt  }
0x43: {  	_ =	shalt  }
0x44: {  	_ =	shalt  }
0x45: {  	_ =	shalt  }
0x46: {  	_ =	shalt  }
0x47: {  	_ =	shalt  }
0x48: {  	_ =	shalt  }
0x49: {  	_ =	shalt  }
0x4a: {  	_ =	shalt  }
0x4b: {  	_ =	shalt  }
0x4c: {  	_ =	shalt  }
0x4d: {  	_ =	shalt  }
0x4e: {  	_ =	shalt  }
0x4f: {  	_ =	shalt  }
0x50: {  	_ =	shalt  }
0x51: {  	_ =	shalt  }
0x52: {  	_ =	shalt  }
0x53: {  	_ =	shalt  }
0x54: {  	_ =	shalt  }
0x55: {  	_ =	shalt  }
0x56: {  	_ =	shalt  }
0x57: {  	_ =	shalt  }
0x58: {  	_ =	shalt  }
0x59: {  	_ =	shalt  }
0x5a: {  	_ =	shalt  }
0x5b: {  	_ =	shalt  }
0x5c: {  	_ =	shalt  }
0x5d: {  	_ =	shalt  }
0x5e: {  	_ =	shalt  }
0x5f: {  	_ =	shalt  }
0x60: {  	_ =	shalt  }
0x61: {  	_ =	shalt  }
0x62: {  	_ =	shalt  }
0x63: {  	_ =	shalt  }
0x64: {  	_ =	shalt  }
0x65: {  	_ =	shalt  }
0x66: {  	_ =	shalt  }
0x67: {  	_ =	shalt  }
0x68: {  	_ =	shalt  }
0x69: {  	_ =	shalt  }
0x6a: {  	_ =	shalt  }
0x6b: {  	_ =	shalt  }
0x6c: {  	_ =	shalt  }
0x6d: {  	_ =	shalt  }
0x6e: {  	_ =	shalt  }
0x6f: {  	_ =	shalt  }
0x70: {  	_ =	shalt  }
0x71: {  	_ =	shalt  }
0x72: {  	_ =	shalt  }
0x73: {  	_ =	shalt  }
0x74: {  	_ =	shalt  }
0x75: {  	_ =	shalt  }
0x76: {  	_ =	shalt  }
0x77: {  	_ =	shalt  }
0x78: {  	_ =	shalt  }
0x79: {  	_ =	shalt  }
0x7a: {  	_ =	shalt  }
0x7b: {  	_ =	shalt  }
0x7c: {  	_ =	shalt  }
0x7d: {  	_ =	shalt  }
0x7e: {  	_ =	shalt  }
0x7f: {  	_ =	shalt  }
0x80: {  	_ =	shalt  }
0x81: {  	_ =	shalt  }
0x82: {  	_ =	shalt  }
0x83: {  	_ =	shalt  }
0x84: {  	_ =	shalt  }
0x85: {  	_ =	shalt  }
0x86: {  	_ =	shalt  }
0x87: {  	_ =	shalt  }
.Lfunc_end0:
.L_simem_size_0:
called_computation_lowered:
.L_overlay_start_0:
0x88: {  	s2 =	sld [smem:$0x3FD9]  }
0x89: {  	s3 =	sld [smem:$0x3FFE];
	_ =	sdelay $0x1  }
0x8a: {  	s1 =	srdreg.scid  }
0x8b: {  	s0 =	sand.u32 $0x1, s1  }
0x8c: {  	s17 =	sshll.u32 s0, $0xA;
	s2 =	sadd.s32 s3, s2  }
0x8d: {  	s2 =	sadd.s32 s2, s17  }
0x8e: {  	[smem:$0x3FC5] =	sst s2  }
0x8f: {  	_ = 	snop  }
0x90: {  	s2 =	sld [smem:$0x3FC9]  }
0x91: {  	s18 =	sld [smem:$0x3FC8]  }
0x92: {  	s4 =	sld [smem:$0x3FD0];
	(tm) =	ssettm $0x1  }
0x93: {  	s5 =	sld [smem:$0x3FFB];
	_ =	sdelay $0x3  }
0x94: {  	_ =	strace s5  }
0x95: {  	s5 =	sld [smem:$0x3FFC];
	_ =	sdelay $0x3  }
0x96: {  	_ =	strace s5  }
0x97: {  	s5 =	sld [smem:$0x3FFD];
	_ =	sdelay $0x3  }
0x98: {  	_ =	strace s5  }
0x99: {  	_ =	strace $0x8FFFFFFF  }
0x9a: {  	s19 =	sld [smem:$0x3FDB];
	_ =	sdelay $0x1  }
0x9b: {  	s6 =	simm.s32 $_scs_section_size  }
0x9c: {  	s7 =	simm.s32 $_size__tile_overlayer_lowered;
	s8 =	simm.s32 $_tile_overlayer_lowered  }
0x9d: {  	s22 =	simm.s32 $0x1BFF;
	s21 =	sshll.u32 s8, $0x1;
	s5 =	sadd.s32 s6, s19  }
0x9e: {  	s9 =	simm.s32 $0x0;
	s20 =	sshll.u32 s7, $0x1;
	s7 =	sadd.s32 s21, s5  }
0x9f: {  	[timem:s9], [sflag:s22] =	dma.local [hbm:s7], s20  }
0xa0: {  	_ =	swait.ge [sflag:s22], s20  }
0xa1: {  	s6 =	ssub.s32 $0x0, s20;
	[sflag:s22] =	ssyncset.done $0x0  }
0xa2: {  	[sflag:s22] =	ssyncadd.s32 s6;
	_ =	sdelay $0x1  }
0xa3: {  	s23 =	simm.s32 $0x1B8B  }
0xa4: {  	_ =	swait.ge [sflag:s23], $0x1  }
0xa5: {  	[sflag:s23] =	ssyncset.done $0x0  }
0xa6: {  	s25 =	simm.s32 $0x1B8E;
	s24 =	sld [smem:$0x3FFE];
	[sflag:s23] =	ssyncadd.s32 $0xFFFFFFFF  }
0xa7: {  	s26 =	simm.s32 $execute0_lowered;
	[smem:$0x3FD2] =	sst s25  }
0xa8: {  	s7 =	sshll.u32 s26, $0x1;
	_ =	strace $0x80000046;
	[dreg:$0x1] =	wrdreg $0xFFFFFFFF  }
0xa9: {  	s28 =	simm.s32 $_size_execute0_lowered;
	s5 =	sadd.s32 s5, s7;
	[dreg:$0x0] =	wrdreg $0x0  }
0xaa: {  	s7 =	sshll.u32 s28, $0x1;
	[dreg:$0x2] =	wrdreg s5  }
0xab: {  	[dreg:$0x3] =	wrdreg s7  }
0xac: {  	[dreg:$0x4] =	wrdreg $0xC0  }
0xad: {  	_ =	task [dreg:s9], $0x5FFFF  }
0xae: {  	[dreg:$0x1] =	wrdreg $0xFFFFFFFF  }
0xaf: {  	[dreg:$0x0] =	wrdreg $0x60  }
0xb0: {  	[dreg:$0x2] =	wrdreg s18  }
0xb1: {  	[dreg:$0x3] =	wrdreg s2  }
0xb2: {  	[dreg:$0x4] =	wrdreg s24  }
0xb3: {  	[dreg:$0x5] =	wrdreg s4  }
0xb4: {  	[dreg:$0x6] =	wrdreg $0x9  }
0xb5: {  	_ =	task.clear_ibuf [dreg:s9], $0x7FFFF;
	_ =	strace $0x90000046  }
0xb6: {  	s29 =	simm.s32 $0x9;
	_ =	strace $0x80000048  }
0xb7: {  	_ =	swait.ge [sflag:s29], $0x1  }
0xb8: {  	[sflag:s29] =	ssyncadd.s32 $0xFFFFFFFF  }
0xb9: {  	_ =	strace $0x90000048  }
0xba: {  	_ =	sfence  }
0xbb: {  	s30 =	sld [smem:$0x0];
	_ =	sdelay $0x2  }
0xbc: {  	s31 =	sshll.u32 s1, $0xD;
	s1 =	sshrl.u32 s1, $0x2  }
0xbd: {  	s3 =	sand.u32 $0x4000, s31;
	s1 =	sadd.s32 s1, s30  }
0xbe: {  	s0 =	sor.u32 s3, s0;
	s1 =	sshll.u32 s1, $0x11  }
0xbf: {  	s0 =	sor.u32 s1, s0  }
0xc0: {  	s0 =	sadd.s32 $0x8F2B, s0  }
0xc1: {  	[sflag:s0] =	ssyncadd.remote.s32 $0x1  }
0xc2: {  	_ =	sfence.sel $0xFFFF  }
0xc3: {  	[dreg:$0x0] =	wrdreg $0xFFFFFFFF;
	(pc) =	sbr.abs _section_cstart, $3  }
0xc4: {  	[dreg:$0x1] =	wrdreg $0xFFFFFFFF  }
0xc5: {  	_ =	task.clear_ibuf [dreg:s9], $0x2FFFF;
	_ =	strace $0x9FFFFFFF  }
0xc6: {  	(tm) =	ssettm $0x7FFFFFFF  }
0xc7: {  	_ =	shalt  }
tec
execute0_lowered:
.L_overlay_start_1:
0x0: {  	(tag) =	ssettag $0x1  }
0x1: {  	s1 =	rddreg [dreg:$0x0]  }
0x2: {  	s7 =	rddreg [dreg:$0x1]  }
0x3: {  	s0 =	rddreg [dreg:$0x2]  }
0x4: {  	s4 =	rddreg [dreg:$0x3];
	s5 =	simm.s32 $0x0;
	s2 =	srdreg.scid  }
0x5: {  	s3 =	stileid.u32;
	s19 =	simm.s32 $0x3;
	s20 =	simm.s32 $0xC400  }
0x6: {  	[smem:$0x7FF] =	sst s5;
	s2 =	sand.u32 $0x1, s2;
	s3 =	sshll.u32 s3, $0x1  }
0x7: {  	s25 =	sadd.s32 $0x100, s1;
	s26 =	sadd.s32 $0x200, s1;
	s11 =	sadd.s32 $0x300, s1  }
0x8: {  	s28 =	sadd.s32 $0x100, s7;
	_ =	strace $0x80000047;
	[dreg:$0xc] =	wrdreg s25  }
0x9: {  	s29 =	sadd.s32 $0x200, s7;
	s30 =	sadd.s32 $0x300, s7;
	[dreg:$0xd] =	wrdreg s26  }
0xa: {  	s15 =	sadd.s32 $0x100, s4;
	s3 =	sor.u32 s2, s3;
	[dreg:$0x9] =	wrdreg s28  }
0xb: {  	s2 =	ssub.s32 $0x2, s2;
	[dreg:$0xa] =	wrdreg s29;
	s6 =	sshll.u32 s3, $0x7  }
0xc: {  	[dreg:$0xb] =	wrdreg s30;
	s3 =	sshll.u32 s3, $0x9;
	s6 =	sadd.s32 s6, s0  }
.Ltmp0:
0xd: {  	s0 =	sadd.s32 s3, s0;
	s23 =	sadd.s32 $0x4600, s6;
	(pc) =	sbr.rel .LBB2_1-.Ltmp0, $4  }
0xe: {  	s22 =	sshrl.u32 s2, $0x1;
	s24 =	sadd.s32 $0x5600, s0;
	[dreg:$0x5] =	wrdreg s23  }
0xf: {  	v2 =	vlaneseq.u32;
	vm1 =	vcmask $0x2F20;
	vm2 =	vcmask $0xF00;
	s2 =	ssub.s32 s2, s22;
	s0 =	sadd.s32 $0x600, s0;
	[dreg:$0x6] =	wrdreg s24  }
0x10: {  	vm0 =	vmmov $0xffff;
	s16 =	sadd.s32 $0x200, s4;
	v0 =	vand.u32 $0x7, v2;
	v1 =	vshrl.u32 v2, $0x3;
	s31 =	smax.u32 s2, $0x1;
	[dreg:$0x7] =	wrdreg s0  }
0x11: {  	s17 =	sadd.s32 $0x300, s4;
	v2 =	vor.u32 $0x8, v2;
	vm1 =	vmor vm2, vm1;
	s1 =	simm.s32 $0x0;
	v1 =	vmul.u32 $0x8, v1;
	[dreg:$0x8] =	wrdreg s31  }
.LBB2_5:
0x12: {  	s1 =	rddreg [dreg:$0xe]  }
0x13: {  	s0 =	rddreg [dreg:$0x8];
	s1 =	sadd.s32 $0x1, s1  }
0x14: {  	p0 =	sne.s32 s1, s0  }
.Ltmp1:
0x15: {  	_ = 	snop;
	(pc) =	sbr.rel @!p0 .LBB2_6-.Ltmp1, $1  }
0x16: {  	_ =	sdelay $0x3  }
.LBB2_1:
0x17: {  	[dreg:$0xe] =	wrdreg s1  }
0x18: {  	s0 =	rddreg [dreg:$0x5]  }
0x19: {  	[tilespmem:s5], [sflag:$0x3] =	stream.linear.gather [hbm4b:s0+s5], $0x400, $0x38;
	[tilespmem:$0x16400] =	vst v63  }
0x1a: {  	_ =	swait.ge [sflag:s19], $0x400  }
0x1b: {  	[sflag:s19] =	ssyncset.done $0x0  }
0x1c: {  	s3 =	simm.s32 $0x400;
	s10 =	rddreg [dreg:$0x6];
	[sflag:s19] =	ssyncadd.s32 $0xFFFFFC00  }
0x1d: {  	[tilespmem:s3], [sflag:$0x3] =	stream.linear.gather [hbm4b:s10+s5], $0x1000, $0x38;
	[tilespmem:$0x16400] =	vst v63  }
0x1e: {  	_ =	swait.ge [sflag:s19], $0x1000  }
0x1f: {  	[sflag:s19] =	ssyncset.done $0x0  }
0x20: {  	s13 =	simm.s32 $0x1400;
	s12 =	rddreg [dreg:$0x7];
	[sflag:s19] =	ssyncadd.s32 $0xFFFFF000  }
0x21: {  	[tilespmem:s13], [sflag:$0x3] =	stream.linear.gather [hbm4b:s12+s5], $0x1000, $0x38;
	[tilespmem:$0x16400] =	vst v63  }
0x22: {  	_ =	swait.ge [sflag:s19], $0x1000  }
0x23: {  	[sflag:s19] =	ssyncset.done $0x0  }
0x24: {  	[sflag:s19] =	ssyncadd.s32 $0xFFFFF000  }
0x25: {  	v3 =	vld [tilespmem:$0x0];
	_ =	sdelay $0x4  }
0x26: {  	v4 =	vshll.u32 v3, $0x3  }
0x27: {  	v3 =	vand.u32 $0x7, v3;
	v4 =	vand.u32 $0xFFFFFFC0, v4  }
0x28: {  	v3 =	vor.u32 v3, v4  }
0x29: {  	v4 =	vperm.xlane v3, v0;
	_ =	sdelay $0x1  }
0x2a: {  	v4 =	vadd.s32 v1, v4;
	_ =	sdelay $0x3  }
0x2b: {  	s14 =	simm.s32 $0x2400;
	s18 =	rddreg [dreg:$0x0]  }
0x2c: {  	[tilespmem:s14], [sflag:$0x1] =	stream.indirect_vreg.gather [hbm4b:s18+s5], $0x80, v4, vm0, $0xb8;
	[tilespmem:$0x16400] =	vst v63  }
0x2d: {  	s2 =	rddreg [dreg:$0xc];
	s19 =	simm.s32 $0x2C00;
	v3 =	vperm.xlane v3, v2  }
0x2e: {  	[tilespmem:s19], [sflag:$0x1] =	stream.indirect_vreg.gather [hbm4b:s2+s5], $0x80, v4, vm0, $0xb8;
	[tilespmem:$0x16400] =	vst v63  }
0x2f: {  	s21 =	simm.s32 $0x3400;
	s22 =	rddreg [dreg:$0xd];
	v3 =	vadd.s32 v1, v3  }
0x30: {  	[tilespmem:s21], [sflag:$0x1] =	stream.indirect_vreg.gather [hbm4b:s22+s5], $0x80, v4, vm0, $0xb8;
	[tilespmem:$0x16400] =	vst v63  }
0x31: {  	s23 =	simm.s32 $0x3C00  }
0x32: {  	[tilespmem:s23], [sflag:$0x1] =	stream.indirect_vreg.gather [hbm4b:s11+s5], $0x80, v4, vm0, $0xb8;
	[tilespmem:$0x16400] =	vst v63  }
0x33: {  	s24 =	simm.s32 $0x4400  }
0x34: {  	[tilespmem:s24], [sflag:$0x1] =	stream.indirect_vreg.gather [hbm4b:s18+s5], $0x80, v3, vm0, $0xb8;
	[tilespmem:$0x16400] =	vst v63  }
0x35: {  	s25 =	simm.s32 $0x4C00  }
0x36: {  	[tilespmem:s25], [sflag:$0x1] =	stream.indirect_vreg.gather [hbm4b:s2+s5], $0x80, v3, vm0, $0xb8;
	[tilespmem:$0x16400] =	vst v63  }
0x37: {  	s26 =	simm.s32 $0x5400  }
0x38: {  	[tilespmem:s26], [sflag:$0x1] =	stream.indirect_vreg.gather [hbm4b:s22+s5], $0x80, v3, vm0, $0xb8;
	[tilespmem:$0x16400] =	vst v63  }
0x39: {  	s4 =	simm.s32 $0x5C00  }
0x3a: {  	[tilespmem:s4], [sflag:$0x1] =	stream.indirect_vreg.gather [hbm4b:s11+s5], $0x80, v3, vm0, $0xb8;
	[tilespmem:$0x16400] =	vst v63  }
0x3b: {  	v3 =	vld [tilespmem:$0x10];
	_ =	sdelay $0x4  }
0x3c: {  	v62 =	vshll.u32 v3, $0x3  }
0x3d: {  	v3 =	vand.u32 $0x7, v3;
	v4 =	vand.u32 $0xFFFFFFC0, v62  }
0x3e: {  	v3 =	vor.u32 v3, v4  }
0x3f: {  	v4 =	vperm.xlane v3, v0;
	_ =	sdelay $0x1  }
0x40: {  	v4 =	vadd.s32 v1, v4;
	_ =	sdelay $0x3  }
0x41: {  	s6 =	simm.s32 $0x6400  }
0x42: {  	[tilespmem:s6], [sflag:$0x1] =	stream.indirect_vreg.gather [hbm4b:s18+s5], $0x80, v4, vm0, $0xb8;
	[tilespmem:$0x16400] =	vst v63  }
0x43: {  	s7 =	simm.s32 $0x6C00;
	v3 =	vperm.xlane v3, v2  }
0x44: {  	[tilespmem:s7], [sflag:$0x1] =	stream.indirect_vreg.gather [hbm4b:s2+s5], $0x80, v4, vm0, $0xb8;
	[tilespmem:$0x16400] =	vst v63  }
0x45: {  	s8 =	simm.s32 $0x7400;
	v3 =	vadd.s32 v1, v3  }
0x46: {  	[tilespmem:s8], [sflag:$0x1] =	stream.indirect_vreg.gather [hbm4b:s22+s5], $0x80, v4, vm0, $0xb8;
	[tilespmem:$0x16400] =	vst v63  }
0x47: {  	s9 =	simm.s32 $0x7C00  }
0x48: {  	[tilespmem:s9], [sflag:$0x1] =	stream.indirect_vreg.gather [hbm4b:s11+s5], $0x80, v4, vm0, $0xb8;
	[tilespmem:$0x16400] =	vst v63  }
0x49: {  	s10 =	simm.s32 $0x8400  }
0x4a: {  	[tilespmem:s10], [sflag:$0x1] =	stream.indirect_vreg.gather [hbm4b:s18+s5], $0x80, v3, vm0, $0xb8;
	[tilespmem:$0x16400] =	vst v63  }
0x4b: {  	s12 =	simm.s32 $0x8C00  }
0x4c: {  	[tilespmem:s12], [sflag:$0x1] =	stream.indirect_vreg.gather [hbm4b:s2+s5], $0x80, v3, vm0, $0xb8;
	[tilespmem:$0x16400] =	vst v63  }
0x4d: {  	s13 =	simm.s32 $0x9400  }
0x4e: {  	[tilespmem:s13], [sflag:$0x1] =	stream.indirect_vreg.gather [hbm4b:s22+s5], $0x80, v3, vm0, $0xb8;
	[tilespmem:$0x16400] =	vst v63  }
0x4f: {  	s14 =	simm.s32 $0x9C00  }
0x50: {  	[tilespmem:s14], [sflag:$0x1] =	stream.indirect_vreg.gather [hbm4b:s11+s5], $0x80, v3, vm0, $0xb8;
	[tilespmem:$0x16400] =	vst v63  }
0x51: {  	v3 =	vld.msk [tilespmem:$0x1400], $0xf;
	_ =	sdelay $0x4  }
0x52: {  	v63 =	vshll.u32 v3, $0x3  }
0x53: {  	v3 =	vand.u32 $0x7, v3;
	v4 =	vand.u32 $0xFFFFFFC0, v63  }
0x54: {  	v3 =	vor.u32 v3, v4  }
0x55: {  	s30 =	simm.s32 $0x30;
	s31 =	simm.s32 $0x1500;
	s28 =	simm.s32 $0x11400;
	v3 =	vperm.xlane v3, v0  }
0x56: {  	s1 =	simm.s32 $0x13C00;
	s29 =	simm.s32 $0x14C00;
	s0 =	simm.s32 $0x4A0  }
0x57: {  	s3 =	simm.s32 $0x1;
	s19 =	simm.s32 $0xA400;
	s21 =	rddreg [dreg:$0x9];
	v3 =	vadd.s32 v1, v3  }
0x58: {  	s23 =	simm.s32 $0xB400;
	s24 =	rddreg [dreg:$0xa];
	s25 =	simm.s32 $0xBC00  }
0x59: {  	s26 =	rddreg [dreg:$0xb];
	s4 =	simm.s32 $0x15400;
	s6 =	simm.s32 $0xCC00  }
0x5a: {  	s7 =	simm.s32 $0xD400;
	s8 =	simm.s32 $0xDC00;
	s9 =	rddreg [dreg:$0x3]  }
0x5b: {  	s18 =	rddreg [dreg:$0x1];
	s10 =	simm.s32 $0x15C00;
	s2 =	simm.s32 $0xEC00  }
0x5c: {  	[tilespmem:s19], [sflag:$0x1] =	stream.indirect_vreg.gather [hbm4b:s18+s5], $0x80, v3, vm1, $0xb8;
	[tilespmem:$0x16400] =	vst v63  }
0x5d: {  	s12 =	simm.s32 $0x11C00;
	s22 =	simm.s32 $0xAC00;
	s13 =	simm.s32 $0x12400  }
0x5e: {  	[tilespmem:s22], [sflag:$0x1] =	stream.indirect_vreg.gather [hbm4b:s21+s5], $0x80, v3, vm1, $0xb8;
	[tilespmem:$0x16400] =	vst v63  }
.Ltmp2:
0x5f: {  	s14 =	simm.s32 $0x12C00;
	s18 =	simm.s32 $0xE400;
	(pc) =	sbr.rel .LBB2_2-.Ltmp2, $4  }
0x60: {  	[tilespmem:s23], [sflag:$0x1] =	stream.indirect_vreg.gather [hbm4b:s24+s5], $0x80, v3, vm1, $0xb8;
	[tilespmem:$0x16400] =	vst v63  }
0x61: {  	s22 =	simm.s32 $0xF400;
	s21 =	simm.s32 $0x13400;
	s23 =	simm.s32 $0xFC00  }
0x62: {  	[tilespmem:s25], [sflag:$0x1] =	stream.indirect_vreg.gather [hbm4b:s26+s5], $0x80, v3, vm1, $0xb8;
	[tilespmem:$0x16400] =	vst v63  }
0x63: {  	s24 =	simm.s32 $0x14400;
	s25 =	simm.s32 $0x10400;
	s26 =	simm.s32 $0x10C00  }
.LBB2_4:
0x64: {  	v3 =	vld [tilespmem:s0+$0xFFFFFFE0];
	_ =	sdelay $0x4  }
0x65: {  	v4 =	vshll.u32 v3, $0x3  }
0x66: {  	v3 =	vand.u32 $0x7, v3;
	v4 =	vand.u32 $0xFFFFFFC0, v4  }
0x67: {  	v3 =	vor.u32 v3, v4  }
0x68: {  	v4 =	vperm.xlane v3, v0;
	_ =	sdelay $0x1  }
0x69: {  	v4 =	vadd.s32 v1, v4;
	_ =	sdelay $0x3  }
0x6a: {  	s20 =	simm.s32 $0xC400  }
0x6b: {  	[hbm4b:s9+s5] =	stream.indirect_vreg.scatter [tilespmem:s20], [sflag:$0x3], $0x80, v4, vm0, $0xb8;
	[tilespmem:$0x16400] =	vst v63  }
0x6c: {  	s6 =	simm.s32 $0xCC00;
	v3 =	vperm.xlane v3, v2  }
0x6d: {  	[hbm4b:s15+s5] =	stream.indirect_vreg.scatter [tilespmem:s6], [sflag:$0x3], $0x80, v4, vm0, $0xb8;
	[tilespmem:$0x16400] =	vst v63  }
0x6e: {  	s7 =	simm.s32 $0xD400;
	v3 =	vadd.s32 v1, v3  }
0x6f: {  	[hbm4b:s16+s5] =	stream.indirect_vreg.scatter [tilespmem:s7], [sflag:$0x3], $0x80, v4, vm0, $0xb8;
	[tilespmem:$0x16400] =	vst v63  }
0x70: {  	s8 =	simm.s32 $0xDC00  }
0x71: {  	[hbm4b:s17+s5] =	stream.indirect_vreg.scatter [tilespmem:s8], [sflag:$0x3], $0x80, v4, vm0, $0xb8;
	[tilespmem:$0x16400] =	vst v63  }
0x72: {  	s18 =	simm.s32 $0xE400  }
0x73: {  	[hbm4b:s9+s5] =	stream.indirect_vreg.scatter [tilespmem:s18], [sflag:$0x3], $0x80, v3, vm0, $0xb8;
	[tilespmem:$0x16400] =	vst v63  }
0x74: {  	s2 =	simm.s32 $0xEC00  }
0x75: {  	[hbm4b:s15+s5] =	stream.indirect_vreg.scatter [tilespmem:s2], [sflag:$0x3], $0x80, v3, vm0, $0xb8;
	[tilespmem:$0x16400] =	vst v63  }
0x76: {  	s22 =	simm.s32 $0xF400  }
0x77: {  	[hbm4b:s16+s5] =	stream.indirect_vreg.scatter [tilespmem:s22], [sflag:$0x3], $0x80, v3, vm0, $0xb8;
	[tilespmem:$0x16400] =	vst v63  }
0x78: {  	s23 =	simm.s32 $0xFC00  }
0x79: {  	[hbm4b:s17+s5] =	stream.indirect_vreg.scatter [tilespmem:s23], [sflag:$0x3], $0x80, v3, vm0, $0xb8;
	[tilespmem:$0x16400] =	vst v63  }
0x7a: {  	v3 =	vld [tilespmem:s0+$0xFFFFFFF0];
	_ =	sdelay $0x4  }
0x7b: {  	v62 =	vshll.u32 v3, $0x3  }
0x7c: {  	v3 =	vand.u32 $0x7, v3;
	v4 =	vand.u32 $0xFFFFFFC0, v62  }
0x7d: {  	v3 =	vor.u32 v3, v4  }
0x7e: {  	v4 =	vperm.xlane v3, v0;
	_ =	sdelay $0x1  }
0x7f: {  	v4 =	vadd.s32 v1, v4;
	_ =	sdelay $0x3  }
0x80: {  	s25 =	simm.s32 $0x10400  }
0x81: {  	[hbm4b:s9+s5] =	stream.indirect_vreg.scatter [tilespmem:s25], [sflag:$0x3], $0x80, v4, vm0, $0xb8;
	[tilespmem:$0x16400] =	vst v63  }
0x82: {  	s26 =	simm.s32 $0x10C00;
	v3 =	vperm.xlane v3, v2  }
0x83: {  	[hbm4b:s15+s5] =	stream.indirect_vreg.scatter [tilespmem:s26], [sflag:$0x3], $0x80, v4, vm0, $0xb8;
	[tilespmem:$0x16400] =	vst v63  }
0x84: {  	s28 =	simm.s32 $0x11400;
	v3 =	vadd.s32 v1, v3  }
0x85: {  	[hbm4b:s16+s5] =	stream.indirect_vreg.scatter [tilespmem:s28], [sflag:$0x3], $0x80, v4, vm0, $0xb8;
	[tilespmem:$0x16400] =	vst v63  }
0x86: {  	s12 =	simm.s32 $0x11C00  }
0x87: {  	[hbm4b:s17+s5] =	stream.indirect_vreg.scatter [tilespmem:s12], [sflag:$0x3], $0x80, v4, vm0, $0xb8;
	[tilespmem:$0x16400] =	vst v63  }
0x88: {  	s13 =	simm.s32 $0x12400  }
0x89: {  	[hbm4b:s9+s5] =	stream.indirect_vreg.scatter [tilespmem:s13], [sflag:$0x3], $0x80, v3, vm0, $0xb8;
	[tilespmem:$0x16400] =	vst v63  }
0x8a: {  	s14 =	simm.s32 $0x12C00  }
0x8b: {  	[hbm4b:s15+s5] =	stream.indirect_vreg.scatter [tilespmem:s14], [sflag:$0x3], $0x80, v3, vm0, $0xb8;
	[tilespmem:$0x16400] =	vst v63  }
0x8c: {  	s21 =	simm.s32 $0x13400  }
0x8d: {  	[hbm4b:s16+s5] =	stream.indirect_vreg.scatter [tilespmem:s21], [sflag:$0x3], $0x80, v3, vm0, $0xb8;
	[tilespmem:$0x16400] =	vst v63  }
0x8e: {  	s1 =	simm.s32 $0x13C00  }
0x8f: {  	[hbm4b:s17+s5] =	stream.indirect_vreg.scatter [tilespmem:s1], [sflag:$0x3], $0x80, v3, vm0, $0xb8;
	[tilespmem:$0x16400] =	vst v63  }
0x90: {  	v3 =	vld.msk [tilespmem:s0+$0x0], $0xf;
	_ =	sdelay $0x4  }
0x91: {  	v63 =	vshll.u32 v3, $0x3  }
0x92: {  	v3 =	vand.u32 $0x7, v3;
	v4 =	vand.u32 $0xFFFFFFC0, v63  }
0x93: {  	v3 =	vor.u32 v3, v4  }
0x94: {  	v3 =	vperm.xlane v3, v0;
	_ =	sdelay $0x1  }
0x95: {  	v3 =	vadd.s32 v1, v3;
	_ =	sdelay $0x3  }
0x96: {  	s24 =	simm.s32 $0x14400  }
0x97: {  	[hbm4b:s9+s5] =	stream.indirect_vreg.scatter [tilespmem:s24], [sflag:$0x3], $0x80, v3, vm1, $0xb8;
	[tilespmem:$0x16400] =	vst v63  }
0x98: {  	s29 =	simm.s32 $0x14C00;
	s3 =	sadd.s32 $0x2, s3  }
0x99: {  	[hbm4b:s15+s5] =	stream.indirect_vreg.scatter [tilespmem:s29], [sflag:$0x3], $0x80, v3, vm1, $0xb8;
	[tilespmem:$0x16400] =	vst v63  }
0x9a: {  	s4 =	simm.s32 $0x15400;
	p0 =	sne.s32 s3, $0x21  }
0x9b: {  	[hbm4b:s16+s5] =	stream.indirect_vreg.scatter [tilespmem:s4], [sflag:$0x3], $0x80, v3, vm1, $0xb8;
	[tilespmem:$0x16400] =	vst v63  }
.Ltmp3:
0x9c: {  	s10 =	simm.s32 $0x15C00;
	(pc) =	sbr.rel @!p0 .LBB2_5-.Ltmp3, $4  }
0x9d: {  	[hbm4b:s17+s5] =	stream.indirect_vreg.scatter [tilespmem:s10], [sflag:$0x3], $0x80, v3, vm1, $0xb8;
	[tilespmem:$0x16400] =	vst v63  }
0x9e: {  	_ =	swait.ge [sflag:s19], $0x9000  }
0x9f: {  	s30 =	sadd.s32 $0x40, s30;
	[sflag:s19] =	ssyncset.done $0x0  }
0xa0: {  	s31 =	sadd.s32 $0x100, s31;
	s0 =	sadd.s32 $0x100, s0;
	[sflag:s19] =	ssyncadd.s32 $0xFFFF7000  }
.LBB2_2:
0xa1: {  	s19 =	simm.s32 $0x1  }
0xa2: {  	_ =	swait.ge [sflag:s19], $0x8000  }
0xa3: {  	[sflag:s19] =	ssyncset.done $0x0  }
0xa4: {  	[sflag:s19] =	ssyncadd.s32 $0xFFFF8000  }
0xa5: {  	_ =	swait.ge [sflag:s19], $0x1000  }
0xa6: {  	[sflag:s19] =	ssyncset.done $0x0  }
0xa7: {  	[sflag:s19] =	ssyncadd.s32 $0xFFFFF000  }
0xa8: {  	v3 =	vld [tilespmem:s30+$0xFFFFFFF0];
	_ =	sdelay $0x4  }
0xa9: {  	v4 =	vshll.u32 v3, $0x3  }
0xaa: {  	v3 =	vand.u32 $0x7, v3;
	v4 =	vand.u32 $0xFFFFFFC0, v4  }
0xab: {  	v3 =	vor.u32 v3, v4  }
0xac: {  	v4 =	vperm.xlane v3, v0;
	_ =	sdelay $0x1  }
0xad: {  	v4 =	vadd.s32 v1, v4;
	_ =	sdelay $0x3  }
0xae: {  	s19 =	rddreg [dreg:$0x0]  }
0xaf: {  	[tilespmem:s20], [sflag:$0x2] =	stream.indirect_vreg.gather [hbm4b:s19+s5], $0x80, v4, vm0, $0xb8;
	[tilespmem:$0x16400] =	vst v63  }
0xb0: {  	v3 =	vperm.xlane v3, v2;
	s20 =	rddreg [dreg:$0xc]  }
0xb1: {  	[tilespmem:s6], [sflag:$0x2] =	stream.indirect_vreg.gather [hbm4b:s20+s5], $0x80, v4, vm0, $0xb8;
	[tilespmem:$0x16400] =	vst v63  }
0xb2: {  	v3 =	vadd.s32 v1, v3;
	s6 =	rddreg [dreg:$0xd]  }
0xb3: {  	[tilespmem:s7], [sflag:$0x2] =	stream.indirect_vreg.gather [hbm4b:s6+s5], $0x80, v4, vm0, $0xb8;
	[tilespmem:$0x16400] =	vst v63  }
0xb4: {  	_ = 	snop  }
0xb5: {  	[tilespmem:s8], [sflag:$0x2] =	stream.indirect_vreg.gather [hbm4b:s11+s5], $0x80, v4, vm0, $0xb8;
	[tilespmem:$0x16400] =	vst v63  }
0xb6: {  	_ = 	snop  }
0xb7: {  	[tilespmem:s18], [sflag:$0x2] =	stream.indirect_vreg.gather [hbm4b:s19+s5], $0x80, v3, vm0, $0xb8;
	[tilespmem:$0x16400] =	vst v63  }
0xb8: {  	_ = 	snop  }
0xb9: {  	[tilespmem:s2], [sflag:$0x2] =	stream.indirect_vreg.gather [hbm4b:s20+s5], $0x80, v3, vm0, $0xb8;
	[tilespmem:$0x16400] =	vst v63  }
0xba: {  	_ = 	snop  }
0xbb: {  	[tilespmem:s22], [sflag:$0x2] =	stream.indirect_vreg.gather [hbm4b:s6+s5], $0x80, v3, vm0, $0xb8;
	[tilespmem:$0x16400] =	vst v63  }
0xbc: {  	_ = 	snop  }
0xbd: {  	[tilespmem:s23], [sflag:$0x2] =	stream.indirect_vreg.gather [hbm4b:s11+s5], $0x80, v3, vm0, $0xb8;
	[tilespmem:$0x16400] =	vst v63  }
0xbe: {  	v3 =	vld [tilespmem:s30+$0x0];
	_ =	sdelay $0x4  }
0xbf: {  	v59 =	vshll.u32 v3, $0x3  }
0xc0: {  	v3 =	vand.u32 $0x7, v3;
	v4 =	vand.u32 $0xFFFFFFC0, v59  }
0xc1: {  	v3 =	vor.u32 v3, v4  }
0xc2: {  	v4 =	vperm.xlane v3, v0;
	_ =	sdelay $0x1  }
0xc3: {  	v4 =	vadd.s32 v1, v4;
	_ =	sdelay $0x4  }
0xc4: {  	[tilespmem:s25], [sflag:$0x2] =	stream.indirect_vreg.gather [hbm4b:s19+s5], $0x80, v4, vm0, $0xb8;
	[tilespmem:$0x16400] =	vst v63  }
0xc5: {  	v3 =	vperm.xlane v3, v2  }
0xc6: {  	[tilespmem:s26], [sflag:$0x2] =	stream.indirect_vreg.gather [hbm4b:s20+s5], $0x80, v4, vm0, $0xb8;
	[tilespmem:$0x16400] =	vst v63  }
0xc7: {  	v3 =	vadd.s32 v1, v3  }
0xc8: {  	[tilespmem:s28], [sflag:$0x2] =	stream.indirect_vreg.gather [hbm4b:s6+s5], $0x80, v4, vm0, $0xb8;
	[tilespmem:$0x16400] =	vst v63  }
0xc9: {  	_ = 	snop  }
0xca: {  	[tilespmem:s12], [sflag:$0x2] =	stream.indirect_vreg.gather [hbm4b:s11+s5], $0x80, v4, vm0, $0xb8;
	[tilespmem:$0x16400] =	vst v63  }
0xcb: {  	_ = 	snop  }
0xcc: {  	[tilespmem:s13], [sflag:$0x2] =	stream.indirect_vreg.gather [hbm4b:s19+s5], $0x80, v3, vm0, $0xb8;
	[tilespmem:$0x16400] =	vst v63  }
0xcd: {  	_ = 	snop  }
0xce: {  	[tilespmem:s14], [sflag:$0x2] =	stream.indirect_vreg.gather [hbm4b:s20+s5], $0x80, v3, vm0, $0xb8;
	[tilespmem:$0x16400] =	vst v63  }
0xcf: {  	_ = 	snop  }
0xd0: {  	[tilespmem:s21], [sflag:$0x2] =	stream.indirect_vreg.gather [hbm4b:s6+s5], $0x80, v3, vm0, $0xb8;
	[tilespmem:$0x16400] =	vst v63  }
0xd1: {  	_ = 	snop  }
0xd2: {  	[tilespmem:s1], [sflag:$0x2] =	stream.indirect_vreg.gather [hbm4b:s11+s5], $0x80, v3, vm0, $0xb8;
	[tilespmem:$0x16400] =	vst v63  }
0xd3: {  	v3 =	vld.msk [tilespmem:s31+$0xFFFFFF80], $0xf;
	_ =	sdelay $0x4  }
0xd4: {  	v60 =	vshll.u32 v3, $0x3  }
0xd5: {  	v3 =	vand.u32 $0x7, v3;
	v4 =	vand.u32 $0xFFFFFFC0, v60  }
0xd6: {  	v3 =	vor.u32 v3, v4  }
0xd7: {  	v3 =	vperm.xlane v3, v0;
	_ =	sdelay $0x1  }
0xd8: {  	v3 =	vadd.s32 v1, v3;
	_ =	sdelay $0x3  }
0xd9: {  	s23 =	rddreg [dreg:$0x1]  }
0xda: {  	[tilespmem:s24], [sflag:$0x2] =	stream.indirect_vreg.gather [hbm4b:s23+s5], $0x80, v3, vm1, $0xb8;
	[tilespmem:$0x16400] =	vst v63  }
0xdb: {  	s24 =	rddreg [dreg:$0x9]  }
0xdc: {  	[tilespmem:s29], [sflag:$0x2] =	stream.indirect_vreg.gather [hbm4b:s24+s5], $0x80, v3, vm1, $0xb8;
	[tilespmem:$0x16400] =	vst v63  }
0xdd: {  	s25 =	rddreg [dreg:$0xa]  }
0xde: {  	[tilespmem:s4], [sflag:$0x2] =	stream.indirect_vreg.gather [hbm4b:s25+s5], $0x80, v3, vm1, $0xb8;
	[tilespmem:$0x16400] =	vst v63  }
0xdf: {  	s26 =	rddreg [dreg:$0xb]  }
0xe0: {  	[tilespmem:s10], [sflag:$0x2] =	stream.indirect_vreg.gather [hbm4b:s26+s5], $0x80, v3, vm1, $0xb8;
	[tilespmem:$0x16400] =	vst v63  }
0xe1: {  	v3 =	vld [tilespmem:s0+$0xFFFFFF60];
	_ =	sdelay $0x4  }
0xe2: {  	v61 =	vshll.u32 v3, $0x3  }
0xe3: {  	v3 =	vand.u32 $0x7, v3;
	v4 =	vand.u32 $0xFFFFFFC0, v61  }
0xe4: {  	v3 =	vor.u32 v3, v4  }
0xe5: {  	v4 =	vperm.xlane v3, v0;
	_ =	sdelay $0x1  }
0xe6: {  	v4 =	vadd.s32 v1, v4;
	_ =	sdelay $0x3  }
0xe7: {  	s28 =	simm.s32 $0x2400  }
0xe8: {  	[hbm4b:s9+s5] =	stream.indirect_vreg.scatter [tilespmem:s28], [sflag:$0x3], $0x80, v4, vm0, $0xb8;
	[tilespmem:$0x16400] =	vst v63  }
0xe9: {  	s29 =	simm.s32 $0x2C00;
	v3 =	vperm.xlane v3, v2  }
0xea: {  	[hbm4b:s15+s5] =	stream.indirect_vreg.scatter [tilespmem:s29], [sflag:$0x3], $0x80, v4, vm0, $0xb8;
	[tilespmem:$0x16400] =	vst v63  }
0xeb: {  	s1 =	simm.s32 $0x3400;
	v3 =	vadd.s32 v1, v3  }
0xec: {  	[hbm4b:s16+s5] =	stream.indirect_vreg.scatter [tilespmem:s1], [sflag:$0x3], $0x80, v4, vm0, $0xb8;
	[tilespmem:$0x16400] =	vst v63  }
0xed: {  	s2 =	simm.s32 $0x3C00  }
0xee: {  	[hbm4b:s17+s5] =	stream.indirect_vreg.scatter [tilespmem:s2], [sflag:$0x3], $0x80, v4, vm0, $0xb8;
	[tilespmem:$0x16400] =	vst v63  }
0xef: {  	s4 =	simm.s32 $0x4400  }
0xf0: {  	[hbm4b:s9+s5] =	stream.indirect_vreg.scatter [tilespmem:s4], [sflag:$0x3], $0x80, v3, vm0, $0xb8;
	[tilespmem:$0x16400] =	vst v63  }
0xf1: {  	s6 =	simm.s32 $0x4C00  }
0xf2: {  	[hbm4b:s15+s5] =	stream.indirect_vreg.scatter [tilespmem:s6], [sflag:$0x3], $0x80, v3, vm0, $0xb8;
	[tilespmem:$0x16400] =	vst v63  }
0xf3: {  	s7 =	simm.s32 $0x5400  }
0xf4: {  	[hbm4b:s16+s5] =	stream.indirect_vreg.scatter [tilespmem:s7], [sflag:$0x3], $0x80, v3, vm0, $0xb8;
	[tilespmem:$0x16400] =	vst v63  }
0xf5: {  	s8 =	simm.s32 $0x5C00  }
0xf6: {  	[hbm4b:s17+s5] =	stream.indirect_vreg.scatter [tilespmem:s8], [sflag:$0x3], $0x80, v3, vm0, $0xb8;
	[tilespmem:$0x16400] =	vst v63  }
0xf7: {  	v3 =	vld [tilespmem:s0+$0xFFFFFF70];
	_ =	sdelay $0x4  }
0xf8: {  	v62 =	vshll.u32 v3, $0x3  }
0xf9: {  	v3 =	vand.u32 $0x7, v3;
	v4 =	vand.u32 $0xFFFFFFC0, v62  }
0xfa: {  	v3 =	vor.u32 v3, v4  }
0xfb: {  	v4 =	vperm.xlane v3, v0;
	_ =	sdelay $0x1  }
0xfc: {  	v4 =	vadd.s32 v1, v4;
	_ =	sdelay $0x3  }
0xfd: {  	s10 =	simm.s32 $0x6400  }
0xfe: {  	[hbm4b:s9+s5] =	stream.indirect_vreg.scatter [tilespmem:s10], [sflag:$0x3], $0x80, v4, vm0, $0xb8;
	[tilespmem:$0x16400] =	vst v63  }
0xff: {  	s12 =	simm.s32 $0x6C00;
	v3 =	vperm.xlane v3, v2  }
0x100: {  	[hbm4b:s15+s5] =	stream.indirect_vreg.scatter [tilespmem:s12], [sflag:$0x3], $0x80, v4, vm0, $0xb8;
	[tilespmem:$0x16400] =	vst v63  }
0x101: {  	s13 =	simm.s32 $0x7400;
	v3 =	vadd.s32 v1, v3  }
0x102: {  	[hbm4b:s16+s5] =	stream.indirect_vreg.scatter [tilespmem:s13], [sflag:$0x3], $0x80, v4, vm0, $0xb8;
	[tilespmem:$0x16400] =	vst v63  }
0x103: {  	s14 =	simm.s32 $0x7C00  }
0x104: {  	[hbm4b:s17+s5] =	stream.indirect_vreg.scatter [tilespmem:s14], [sflag:$0x3], $0x80, v4, vm0, $0xb8;
	[tilespmem:$0x16400] =	vst v63  }
0x105: {  	s18 =	simm.s32 $0x8400  }
0x106: {  	[hbm4b:s9+s5] =	stream.indirect_vreg.scatter [tilespmem:s18], [sflag:$0x3], $0x80, v3, vm0, $0xb8;
	[tilespmem:$0x16400] =	vst v63  }
0x107: {  	s21 =	simm.s32 $0x8C00  }
0x108: {  	[hbm4b:s15+s5] =	stream.indirect_vreg.scatter [tilespmem:s21], [sflag:$0x3], $0x80, v3, vm0, $0xb8;
	[tilespmem:$0x16400] =	vst v63  }
0x109: {  	s22 =	simm.s32 $0x9400  }
0x10a: {  	[hbm4b:s16+s5] =	stream.indirect_vreg.scatter [tilespmem:s22], [sflag:$0x3], $0x80, v3, vm0, $0xb8;
	[tilespmem:$0x16400] =	vst v63  }
0x10b: {  	s23 =	simm.s32 $0x9C00  }
0x10c: {  	[hbm4b:s17+s5] =	stream.indirect_vreg.scatter [tilespmem:s23], [sflag:$0x3], $0x80, v3, vm0, $0xb8;
	[tilespmem:$0x16400] =	vst v63  }
0x10d: {  	v3 =	vld.msk [tilespmem:s0+$0xFFFFFF80], $0xf;
	_ =	sdelay $0x4  }
0x10e: {  	v63 =	vshll.u32 v3, $0x3  }
0x10f: {  	v3 =	vand.u32 $0x7, v3;
	v4 =	vand.u32 $0xFFFFFFC0, v63  }
0x110: {  	v3 =	vor.u32 v3, v4  }
0x111: {  	v3 =	vperm.xlane v3, v0;
	_ =	sdelay $0x1  }
0x112: {  	v3 =	vadd.s32 v1, v3;
	_ =	sdelay $0x3  }
0x113: {  	s24 =	simm.s32 $0xA400  }
0x114: {  	[hbm4b:s9+s5] =	stream.indirect_vreg.scatter [tilespmem:s24], [sflag:$0x3], $0x80, v3, vm1, $0xb8;
	[tilespmem:$0x16400] =	vst v63  }
0x115: {  	s25 =	simm.s32 $0xAC00  }
0x116: {  	[hbm4b:s15+s5] =	stream.indirect_vreg.scatter [tilespmem:s25], [sflag:$0x3], $0x80, v3, vm1, $0xb8;
	[tilespmem:$0x16400] =	vst v63  }
0x117: {  	s26 =	simm.s32 $0xB400  }
0x118: {  	[hbm4b:s16+s5] =	stream.indirect_vreg.scatter [tilespmem:s26], [sflag:$0x3], $0x80, v3, vm1, $0xb8;
	[tilespmem:$0x16400] =	vst v63  }
0x119: {  	s19 =	simm.s32 $0x3;
	s28 =	simm.s32 $0xBC00  }
0x11a: {  	[hbm4b:s17+s5] =	stream.indirect_vreg.scatter [tilespmem:s28], [sflag:$0x3], $0x80, v3, vm1, $0xb8;
	[tilespmem:$0x16400] =	vst v63  }
0x11b: {  	_ =	swait.ge [sflag:s19], $0x9000  }
0x11c: {  	[sflag:s19] =	ssyncset.done $0x0  }
0x11d: {  	s29 =	simm.s32 $0x2;
	[sflag:s19] =	ssyncadd.s32 $0xFFFF7000  }
0x11e: {  	p0 =	sgt.u32 s3, $0x1E;
	_ =	swait.ge [sflag:s29], $0x8000  }
.Ltmp4:
0x11f: {  	[sflag:s29] =	ssyncset.done $0x0;
	(pc) =	sbr.rel @p0 .LBB2_4-.Ltmp4, $4  }
0x120: {  	[sflag:s29] =	ssyncadd.s32 $0xFFFF8000  }
0x121: {  	_ =	swait.ge [sflag:s29], $0x1000  }
0x122: {  	[sflag:s29] =	ssyncset.done $0x0  }
0x123: {  	[sflag:s29] =	ssyncadd.s32 $0xFFFFF000  }
0x124: {  	v3 =	vld [tilespmem:s30+$0x10];
	_ =	sdelay $0x4  }
0x125: {  	v4 =	vshll.u32 v3, $0x3  }
0x126: {  	v3 =	vand.u32 $0x7, v3;
	v4 =	vand.u32 $0xFFFFFFC0, v4  }
0x127: {  	v3 =	vor.u32 v3, v4  }
0x128: {  	v4 =	vperm.xlane v3, v0;
	_ =	sdelay $0x1  }
0x129: {  	v4 =	vadd.s32 v1, v4;
	_ =	sdelay $0x3  }
0x12a: {  	s20 =	simm.s32 $0x2400;
	s1 =	rddreg [dreg:$0x0]  }
0x12b: {  	[tilespmem:s20], [sflag:$0x1] =	stream.indirect_vreg.gather [hbm4b:s1+s5], $0x80, v4, vm0, $0xb8;
	[tilespmem:$0x16400] =	vst v63  }
0x12c: {  	s24 =	simm.s32 $0x2C00;
	s2 =	rddreg [dreg:$0xc];
	v3 =	vperm.xlane v3, v2  }
0x12d: {  	[tilespmem:s24], [sflag:$0x1] =	stream.indirect_vreg.gather [hbm4b:s2+s5], $0x80, v4, vm0, $0xb8;
	[tilespmem:$0x16400] =	vst v63  }
0x12e: {  	s25 =	simm.s32 $0x3400;
	s4 =	rddreg [dreg:$0xd];
	v3 =	vadd.s32 v1, v3  }
0x12f: {  	[tilespmem:s25], [sflag:$0x1] =	stream.indirect_vreg.gather [hbm4b:s4+s5], $0x80, v4, vm0, $0xb8;
	[tilespmem:$0x16400] =	vst v63  }
0x130: {  	s26 =	simm.s32 $0x3C00  }
0x131: {  	[tilespmem:s26], [sflag:$0x1] =	stream.indirect_vreg.gather [hbm4b:s11+s5], $0x80, v4, vm0, $0xb8;
	[tilespmem:$0x16400] =	vst v63  }
0x132: {  	s28 =	simm.s32 $0x4400  }
0x133: {  	[tilespmem:s28], [sflag:$0x1] =	stream.indirect_vreg.gather [hbm4b:s1+s5], $0x80, v3, vm0, $0xb8;
	[tilespmem:$0x16400] =	vst v63  }
0x134: {  	s29 =	simm.s32 $0x4C00  }
0x135: {  	[tilespmem:s29], [sflag:$0x1] =	stream.indirect_vreg.gather [hbm4b:s2+s5], $0x80, v3, vm0, $0xb8;
	[tilespmem:$0x16400] =	vst v63  }
0x136: {  	s6 =	simm.s32 $0x5400  }
0x137: {  	[tilespmem:s6], [sflag:$0x1] =	stream.indirect_vreg.gather [hbm4b:s4+s5], $0x80, v3, vm0, $0xb8;
	[tilespmem:$0x16400] =	vst v63  }
0x138: {  	s7 =	simm.s32 $0x5C00  }
0x139: {  	[tilespmem:s7], [sflag:$0x1] =	stream.indirect_vreg.gather [hbm4b:s11+s5], $0x80, v3, vm0, $0xb8;
	[tilespmem:$0x16400] =	vst v63  }
0x13a: {  	v3 =	vld [tilespmem:s30+$0x20];
	_ =	sdelay $0x4  }
0x13b: {  	v62 =	vshll.u32 v3, $0x3  }
0x13c: {  	v3 =	vand.u32 $0x7, v3;
	v4 =	vand.u32 $0xFFFFFFC0, v62  }
0x13d: {  	v3 =	vor.u32 v3, v4  }
0x13e: {  	v4 =	vperm.xlane v3, v0;
	_ =	sdelay $0x1  }
0x13f: {  	v4 =	vadd.s32 v1, v4;
	_ =	sdelay $0x3  }
0x140: {  	s8 =	simm.s32 $0x6400  }
0x141: {  	[tilespmem:s8], [sflag:$0x1] =	stream.indirect_vreg.gather [hbm4b:s1+s5], $0x80, v4, vm0, $0xb8;
	[tilespmem:$0x16400] =	vst v63  }
0x142: {  	s10 =	simm.s32 $0x6C00;
	v3 =	vperm.xlane v3, v2  }
0x143: {  	[tilespmem:s10], [sflag:$0x1] =	stream.indirect_vreg.gather [hbm4b:s2+s5], $0x80, v4, vm0, $0xb8;
	[tilespmem:$0x16400] =	vst v63  }
0x144: {  	s12 =	simm.s32 $0x7400;
	v3 =	vadd.s32 v1, v3  }
0x145: {  	[tilespmem:s12], [sflag:$0x1] =	stream.indirect_vreg.gather [hbm4b:s4+s5], $0x80, v4, vm0, $0xb8;
	[tilespmem:$0x16400] =	vst v63  }
0x146: {  	s13 =	simm.s32 $0x7C00  }
0x147: {  	[tilespmem:s13], [sflag:$0x1] =	stream.indirect_vreg.gather [hbm4b:s11+s5], $0x80, v4, vm0, $0xb8;
	[tilespmem:$0x16400] =	vst v63  }
0x148: {  	s14 =	simm.s32 $0x8400  }
0x149: {  	[tilespmem:s14], [sflag:$0x1] =	stream.indirect_vreg.gather [hbm4b:s1+s5], $0x80, v3, vm0, $0xb8;
	[tilespmem:$0x16400] =	vst v63  }
0x14a: {  	s18 =	simm.s32 $0x8C00  }
0x14b: {  	[tilespmem:s18], [sflag:$0x1] =	stream.indirect_vreg.gather [hbm4b:s2+s5], $0x80, v3, vm0, $0xb8;
	[tilespmem:$0x16400] =	vst v63  }
0x14c: {  	s21 =	simm.s32 $0x9400  }
0x14d: {  	[tilespmem:s21], [sflag:$0x1] =	stream.indirect_vreg.gather [hbm4b:s4+s5], $0x80, v3, vm0, $0xb8;
	[tilespmem:$0x16400] =	vst v63  }
0x14e: {  	s22 =	simm.s32 $0x9C00  }
0x14f: {  	[tilespmem:s22], [sflag:$0x1] =	stream.indirect_vreg.gather [hbm4b:s11+s5], $0x80, v3, vm0, $0xb8;
	[tilespmem:$0x16400] =	vst v63  }
0x150: {  	v3 =	vld.msk [tilespmem:s31+$0x0], $0xf;
	_ =	sdelay $0x4  }
0x151: {  	v63 =	vshll.u32 v3, $0x3  }
0x152: {  	v3 =	vand.u32 $0x7, v3;
	v4 =	vand.u32 $0xFFFFFFC0, v63  }
0x153: {  	v3 =	vor.u32 v3, v4  }
0x154: {  	v3 =	vperm.xlane v3, v0;
	_ =	sdelay $0x1  }
0x155: {  	v3 =	vadd.s32 v1, v3;
	_ =	sdelay $0x3  }
0x156: {  	s23 =	rddreg [dreg:$0x1];
	s21 =	simm.s32 $0xA400  }
0x157: {  	[tilespmem:s21], [sflag:$0x1] =	stream.indirect_vreg.gather [hbm4b:s23+s5], $0x80, v3, vm1, $0xb8;
	[tilespmem:$0x16400] =	vst v63  }
0x158: {  	s24 =	rddreg [dreg:$0x9];
	s6 =	simm.s32 $0xAC00  }
0x159: {  	[tilespmem:s6], [sflag:$0x1] =	stream.indirect_vreg.gather [hbm4b:s24+s5], $0x80, v3, vm1, $0xb8;
	[tilespmem:$0x16400] =	vst v63  }
.Ltmp5:
0x15a: {  	_ = 	snop;
	(pc) =	sbr.rel .LBB2_4-.Ltmp5, $4  }
0x15b: {  	s25 =	simm.s32 $0xB400;
	s26 =	rddreg [dreg:$0xa]  }
0x15c: {  	[tilespmem:s25], [sflag:$0x1] =	stream.indirect_vreg.gather [hbm4b:s26+s5], $0x80, v3, vm1, $0xb8;
	[tilespmem:$0x16400] =	vst v63  }
0x15d: {  	s28 =	simm.s32 $0xBC00;
	s29 =	rddreg [dreg:$0xb]  }
0x15e: {  	[tilespmem:s28], [sflag:$0x1] =	stream.indirect_vreg.gather [hbm4b:s29+s5], $0x80, v3, vm1, $0xb8;
	[tilespmem:$0x16400] =	vst v63  }
.LBB2_6:
0x15f: {  	_ =	sfence.sel $0x180000  }
0x160: {  	[bflag:$0x0] =	sbarrier.arrive $0xFFFF  }
0x161: {  	_ =	strace $0x90000047  }
0x162: {  	s0 =	stileid.u32;
	[bflag:$0x2] =	sbarrier.arrive $0xFFFF  }
0x163: {  	p0 =	sne.s32 s0, $0x0;
	s0 =	rddreg [dreg:$0x4]  }
0x164: {  	s0 =	sadd.s32 @!p0 $0x100000, s0  }
0x165: {  	[sflag:s0] =	ssyncadd.tile.s32 @!p0 $0x1;
	_ =	shalt  }
.Lfunc_end2:
_tile_overlayer_lowered:
.L_overlay_start_2:
0x166: {  	(tag) =	ssettag $0x2  }
0x167: {  	s0 =	rddreg [dreg:$0x0];
	s2 =	stileid.u32  }
0x168: {  	s1 =	rddreg [dreg:$0x1];
	p0 =	sne.s32 s2, $0x0  }
0x169: {  	s3 =	rddreg [dreg:$0x2];
	[bflag:$0x3] =	sbarrier.arrive $0xFFFF;
	s2 =	simm.s32 @!p0 $0x1C03  }
0x16a: {  	[timem:s3], [sflag:s2] =	dma.local @!p0 [hbm:s0], s1  }
0x16b: {  	s0 =	simm.s32 @!p0 $0x3  }
0x16c: {  	_ =	swait.ge @!p0 [sflag:s0], s1  }
0x16d: {  	s1 =	ssub.s32 @!p0 $0x0, s1;
	[sflag:s0] =	ssyncset.done @!p0 $0x0  }
0x16e: {  	[sflag:s0] =	ssyncadd.s32 @!p0 s1  }
0x16f: {  	[bflag:$0x3] =	sbarrier.arrive $0xFFFF  }
0x170: {  	_ =	shalt  }

</sc_bundles>
